<compile_context>
chip_gen: v7x
topology: tpu7x:2x2x1
jax: 0.10.2.dev20260603
libtpu: 0.0.44.dev20260713+nightly
codegen_flags: <defaults>
</compile_context>

<pallas_src>
import functools

import jax
import jax.numpy as jnp
from jax.experimental import pallas as pl
from jax.experimental.pallas import tpu as pltpu
from jax.experimental.pallas import tpu_sc as plsc

B = 16384
D_IMG = 2048
D_TXT = 768
D_USR = 32

NW = 32
DP = 256
SPLIT_IMG = D_IMG // DP
SPLIT_TXT = D_TXT // DP
CI = 128

BLK = 1024
NBUF = 3


_MESH = plsc.VectorSubcoreMesh(core_axis_name="c", subcore_axis_name="s")


def _sc_gather(item_id, user_id, img_hbm_a, txt_hbm_a, usr_tab,
               row_lo, nrows, gather_users):
    nb = nrows // NW
    nc = nb // CI
    nbu = B // NW
    ncu = nbu // CI
    du = usr_tab.shape[1]
    NPC = SPLIT_IMG + SPLIT_TXT
    NI = nc * NPC
    out_type = [
        jax.ShapeDtypeStruct((nrows * SPLIT_IMG, DP), jnp.float32),
        jax.ShapeDtypeStruct((nrows * SPLIT_TXT, DP), jnp.float32),
    ]
    if gather_users:
        out_type.append(jax.ShapeDtypeStruct((B, du), jnp.float32))
    out_type = tuple(out_type)

    @functools.partial(
        pl.kernel, out_type=out_type, mesh=_MESH,
        scratch_types=[
            pltpu.VMEM((nb,), jnp.int32),
            pltpu.VMEM((nbu,), jnp.int32),
        ] + [pltpu.VMEM((CI, DP), jnp.float32)] * NBUF
          + [pltpu.VMEM((CI, du), jnp.float32)]
          + [pltpu.SemaphoreType.DMA] * (2 * NBUF + 2))
    def gather_kernel(item_hbm, user_hbm, img_hbm, txt_hbm, usr_hbm,
                      img_out, txt_out, *rest):
        usr_out = rest[0] if gather_users else None
        scr = rest[1:] if gather_users else rest
        idxi, idxu = scr[0], scr[1]
        bufs = scr[2:2 + NBUF]
        ubuf = scr[2 + NBUF]
        gsems = scr[3 + NBUF:3 + 2 * NBUF]
        wsems = scr[3 + 2 * NBUF:3 + 3 * NBUF]
        ugsem, uwsem = scr[3 + 3 * NBUF], scr[4 + 3 * NBUF]
        wid = jax.lax.axis_index("c") * 16 + jax.lax.axis_index("s")
        base = wid * nb
        pltpu.sync_copy(item_hbm.at[pl.ds(row_lo + base, nb)], idxi)
        if gather_users:
            pltpu.sync_copy(user_hbm.at[pl.ds(wid * nbu, nbu)], idxu)

        def issue_gather(j, b):
            c = j // NPC
            k = j - c * NPC
            idxs = idxi.at[pl.ds(c * CI, CI)]

            @pl.when(k < SPLIT_IMG)
            def _():
                pltpu.async_copy(img_hbm.at[idxs, pl.ds(k * DP, DP)],
                                 bufs[b], gsems[b])

            @pl.when(k >= SPLIT_IMG)
            def _():
                pltpu.async_copy(
                    txt_hbm.at[idxs, pl.ds((k - SPLIT_IMG) * DP, DP)],
                    bufs[b], gsems[b])

        def issue_write(j, b):
            c = j // NPC
            k = j - c * NPC
            row = base + c * CI

            @pl.when(k < SPLIT_IMG)
            def _():
                pltpu.async_copy(bufs[b],
                                 img_out.at[pl.ds(k * nrows + row, CI)],
                                 wsems[b])

            @pl.when(k >= SPLIT_IMG)
            def _():
                pltpu.async_copy(
                    bufs[b],
                    txt_out.at[pl.ds((k - SPLIT_IMG) * nrows + row, CI)],
                    wsems[b])

        def wait_gather(b):
            pltpu.make_async_copy(
                img_hbm.at[pl.ds(0, CI), pl.ds(0, DP)], bufs[b],
                gsems[b]).wait()

        def wait_write(b):
            pltpu.make_async_copy(
                bufs[b], img_out.at[pl.ds(0, CI)], wsems[b]).wait()

        issue_gather(0, 0)

        nsuper = (NI + NBUF - 1) // NBUF
        @pl.loop(0, nsuper)
        def _(t):
            if gather_users:
                s = t // 2

                @pl.when((t < 2 * ncu) & (t % 2 == 0))
                def _():
                    @pl.when(s > 0)
                    def _():
                        pltpu.make_async_copy(
                            ubuf, usr_out.at[pl.ds(0, CI)], uwsem).wait()
                    pltpu.async_copy(
                        usr_hbm.at[idxu.at[pl.ds(s * CI, CI)]], ubuf,
                        ugsem)

                @pl.when((t < 2 * ncu) & (t % 2 == 1))
                def _():
                    pltpu.make_async_copy(
                        usr_hbm.at[pl.ds(0, CI)], ubuf, ugsem).wait()
                    pltpu.async_copy(
                        ubuf, usr_out.at[pl.ds(wid * nbu + s * CI, CI)],
                        uwsem)

            for b in range(NBUF):
                j = t * NBUF + b
                bn = (b + 1) % NBUF
                jn = j + 1

                @pl.when(jn < NI)
                def _():
                    @pl.when(jn >= NBUF)
                    def _():
                        wait_write(bn)
                    issue_gather(jn, bn)

                @pl.when(j < NI)
                def _():
                    wait_gather(b)
                    issue_write(j, b)

        for b in range(NBUF):
            if NI - NBUF + b >= 0:
                wait_write((NI - NBUF + b) % NBUF)

        if gather_users:
            pltpu.make_async_copy(ubuf, usr_out.at[pl.ds(0, CI)],
                                  uwsem).wait()

    return gather_kernel(item_id, user_id, img_hbm_a, txt_hbm_a, usr_tab)


def _sc_gather_user(user_id, usr_tab):
    nb = B // NW
    nc = nb // CI
    du = usr_tab.shape[1]

    @functools.partial(
        pl.kernel,
        out_type=jax.ShapeDtypeStruct((B, du), jnp.float32),
        mesh=_MESH,
        scratch_types=[
            pltpu.VMEM((nb,), jnp.int32),
            pltpu.VMEM((CI, du), jnp.float32),
        ])
    def gather_kernel(user_hbm, usr_hbm, usr_out, idx_v, usr_buf):
        wid = jax.lax.axis_index("c") * 16 + jax.lax.axis_index("s")
        base = wid * nb
        pltpu.sync_copy(user_hbm.at[pl.ds(base, nb)], idx_v)

        @pl.loop(0, nc)
        def _(c):
            pltpu.sync_copy(usr_hbm.at[idx_v.at[pl.ds(c * CI, CI)]],
                            usr_buf)
            pltpu.sync_copy(usr_buf, usr_out.at[pl.ds(base + c * CI, CI)])

    return gather_kernel(user_id, usr_tab)


_NPARTS = SPLIT_IMG + SPLIT_TXT


def _mlp_body(*refs):
    parts = refs[:_NPARTS]
    usr_ref = refs[_NPARTS]
    w1p = refs[_NPARTS + 1:2 * _NPARTS + 1]
    (b1_ref, w2_ref, b2_ref, w3u_ref, w3i_ref, b3_ref, w4_ref, b4_ref,
     w5_ref, b5_ref, out_ref) = refs[2 * _NPARTS + 1:]
    f32 = jnp.float32
    bf16 = jnp.bfloat16
    h = jnp.dot(parts[0][...].astype(bf16), w1p[0][...],
                preferred_element_type=f32)
    for part, w in zip(parts[1:], w1p[1:]):
        h = h + jnp.dot(part[...].astype(bf16), w[...],
                        preferred_element_type=f32)
    h = jax.nn.relu(h + b1_ref[...])
    ie = jax.nn.relu(
        jnp.dot(h.astype(bf16), w2_ref[...], preferred_element_type=f32)
        + b2_ref[...])
    h2 = jnp.dot(usr_ref[:, :D_USR].astype(bf16), w3u_ref[...],
                 preferred_element_type=f32)
    h2 = h2 + jnp.dot(ie.astype(bf16), w3i_ref[...],
                      preferred_element_type=f32)
    h2 = jax.nn.relu(h2 + b3_ref[...])
    h3 = jax.nn.relu(
        jnp.dot(h2.astype(bf16), w4_ref[...], preferred_element_type=f32)
        + b4_ref[...])
    logit = jnp.dot(h3.astype(bf16), w5_ref[...],
                    preferred_element_type=f32) + b5_ref[...]
    out_ref[...] = jax.nn.sigmoid(logit)


def _tc_mlp(img_o, txt_o, usr_g, row_lo, w1, b1, w2, b2, w3, b3, w4, b4,
            w5, b5):
    bf16 = jnp.bfloat16
    w1p = [w1[DP * p:DP * (p + 1)].astype(bf16)
           for p in range(SPLIT_IMG + SPLIT_TXT)]
    w3u = w3[:D_USR].astype(bf16)
    w3i = w3[D_USR:].astype(bf16)
    weights = w1p + [b1.reshape(1, -1), w2.astype(bf16),
                     b2.reshape(1, -1), w3u, w3i, b3.reshape(1, -1),
                     w4.astype(bf16), b4.reshape(1, -1),
                     w5.astype(bf16), b5.reshape(1, -1)]

    nrows = img_o.shape[0] // SPLIT_IMG
    nblk = nrows // BLK
    ublk0 = row_lo // BLK
    part_spec = lambda p: pl.BlockSpec(
        (BLK, DP), lambda i, p=p: (p * nblk + i, 0))
    const_spec = lambda a: pl.BlockSpec(a.shape, lambda i: (0, 0))
    out = pl.pallas_call(
        _mlp_body,
        grid=(nblk,),
        in_specs=[part_spec(p) for p in range(SPLIT_IMG)]
                 + [part_spec(q) for q in range(SPLIT_TXT)]
                 + [pl.BlockSpec((BLK, usr_g.shape[1]),
                                 lambda i: (ublk0 + i, 0))]
                 + [const_spec(a) for a in weights],
        out_specs=pl.BlockSpec((BLK, 1), lambda i: (i, 0)),
        out_shape=jax.ShapeDtypeStruct((nrows, 1), jnp.float32),
    )(*([img_o] * SPLIT_IMG + [txt_o] * SPLIT_TXT + [usr_g] + weights))
    return out.reshape(-1)


def kernel(user_id, item_id, rating, user_table, text_table, image_table,
           w1, b1, w2, b2, w3, b3, w4, b4, w5, b5):
    usr_tab = jnp.pad(user_table, ((0, 0), (0, 128 - D_USR)))
    img_o, txt_o, usr_g = _sc_gather(item_id, user_id, image_table,
                                     text_table, usr_tab, 0, B, True)
    pred = _tc_mlp(img_o, txt_o, usr_g, 0, w1, b1, w2, b2, w3, b3, w4,
                   b4, w5, b5)
    return (user_id, pred, rating.astype(jnp.float32))

# --- scband reference (transcript-rebuilt; emitter-appended) ---
"""Pipeline reference for scband-my-model-19327352832542 (READ-ONLY COPY).

The authoritative reference and input builder live on the scoring server;
editing this copy changes nothing except your own understanding.
"""

import jax, jax.numpy as jnp
import numpy as np

USER_NUM = 100000
ITEM_NUM = 100000
EMB = 32
B = 16384


def setup_inputs(seed: int = 0) -> dict:
    key = jax.random.key(seed)
    ks = jax.random.split(key, 12)
    user_id = jax.random.randint(ks[0], (B,), 0, USER_NUM, dtype=jnp.int64 if jax.config.jax_enable_x64 else jnp.int32)
    item_id = jax.random.randint(ks[1], (B,), 0, ITEM_NUM, dtype=jnp.int64 if jax.config.jax_enable_x64 else jnp.int32)
    rating = jax.random.uniform(ks[2], (B,), dtype=jnp.float32)
    user_table = jax.random.normal(ks[3], (USER_NUM, EMB), dtype=jnp.float32) * 0.02
    text_table = jax.random.normal(ks[4], (ITEM_NUM, 768), dtype=jnp.float32) * 0.02
    image_table = jax.random.normal(ks[5], (ITEM_NUM, 2048), dtype=jnp.float32) * 0.02
    w1 = jax.random.normal(ks[6], (768 + 2048, 256), dtype=jnp.float32) * 0.02
    b1 = jnp.zeros((256,), dtype=jnp.float32)
    w2 = jax.random.normal(ks[7], (256, EMB), dtype=jnp.float32) * 0.02
    b2 = jnp.zeros((EMB,), dtype=jnp.float32)
    w3 = jax.random.normal(ks[8], (2 * EMB, 128), dtype=jnp.float32) * 0.02
    b3 = jnp.zeros((128,), dtype=jnp.float32)
    w4 = jax.random.normal(ks[9], (128, 32), dtype=jnp.float32) * 0.02
    b4 = jnp.zeros((32,), dtype=jnp.float32)
    w5 = jax.random.normal(ks[10], (32, 1), dtype=jnp.float32) * 0.02
    b5 = jnp.zeros((1,), dtype=jnp.float32)
    return {
        'user_id': user_id, 'item_id': item_id, 'rating': rating,
        'user_table': user_table, 'text_table': text_table, 'image_table': image_table,
        'w1': w1, 'b1': b1, 'w2': w2, 'b2': b2,
        'w3': w3, 'b3': b3, 'w4': w4, 'b4': b4, 'w5': w5, 'b5': b5,
    }


def reference(user_id, item_id, rating, user_table, text_table, image_table,
              w1, b1, w2, b2, w3, b3, w4, b4, w5, b5):
    # user_emb = self.user_embedding(user_id)
    user_emb = jnp.take(user_table, user_id, axis=0)
    # item_emb = cat([image_emb(item_id), text_emb(item_id)], dim=-1)
    img = jnp.take(image_table, item_id, axis=0)
    txt = jnp.take(text_table, item_id, axis=0)
    item_emb = jnp.concatenate([img, txt], axis=-1)
    # item_mlp: Linear(2816,256) -> ReLU -> Linear(256,32) -> ReLU
    h = jax.nn.relu(item_emb @ w1 + b1)
    item_e = jax.nn.relu(h @ w2 + b2)
    # mlp: Linear(64,128) -> ReLU -> Linear(128,32) -> ReLU -> Linear(32,1)
    z = jnp.concatenate([user_emb, item_e], axis=1)
    h2 = jax.nn.relu(z @ w3 + b3)
    h3 = jax.nn.relu(h2 @ w4 + b4)
    pred = jax.nn.sigmoid(h3 @ w5 + b5).reshape(-1)
    y = rating.astype(jnp.float32)
    return (user_id, pred, y)

if __name__ == "__main__":
    import jax
    _d = setup_inputs()
    print(jax.jit(kernel)(*tuple(_d.values())))

</pallas_src>

<mosaic_0001>
#map = affine_map<(d0, d1) -> (0)>
#map1 = affine_map<(d0, d1) -> (0, 0)>
module attributes {stable_mosaic.version = 14 : i64} {
  func.func @gather_kernel(%arg0: i32, %arg1: i32, %arg2: memref<16384xi32, #tpu.memory_space<hbm>>, %arg3: memref<16384xi32, #tpu.memory_space<hbm>>, %arg4: memref<100000x2048xf32, #tpu.memory_space<hbm>>, %arg5: memref<100000x768xf32, #tpu.memory_space<hbm>>, %arg6: memref<100000x128xf32, #tpu.memory_space<hbm>>, %arg7: memref<131072x256xf32, #tpu.memory_space<hbm>>, %arg8: memref<49152x256xf32, #tpu.memory_space<hbm>>, %arg9: memref<16384x128xf32, #tpu.memory_space<hbm>>, %arg10: memref<512xi32, #tpu.memory_space<vmem>>, %arg11: memref<512xi32, #tpu.memory_space<vmem>>, %arg12: memref<128x256xf32, #tpu.memory_space<vmem>>, %arg13: memref<128x256xf32, #tpu.memory_space<vmem>>, %arg14: memref<128x256xf32, #tpu.memory_space<vmem>>, %arg15: memref<128x128xf32, #tpu.memory_space<vmem>>, %arg16: memref<!tpu.dma_semaphore, #tpu.memory_space<semaphore_mem>>, %arg17: memref<!tpu.dma_semaphore, #tpu.memory_space<semaphore_mem>>, %arg18: memref<!tpu.dma_semaphore, #tpu.memory_space<semaphore_mem>>, %arg19: memref<!tpu.dma_semaphore, #tpu.memory_space<semaphore_mem>>, %arg20: memref<!tpu.dma_semaphore, #tpu.memory_space<semaphore_mem>>, %arg21: memref<!tpu.dma_semaphore, #tpu.memory_space<semaphore_mem>>, %arg22: memref<!tpu.dma_semaphore, #tpu.memory_space<semaphore_mem>>, %arg23: memref<!tpu.dma_semaphore, #tpu.memory_space<semaphore_mem>>) attributes {dimension_semantics = [#tpu.dimension_semantics<core_parallel>, #tpu.dimension_semantics<subcore_parallel>], iteration_bounds = array<i64: 2, 16>, scalar_prefetch = 0 : i64, scratch_operands = 14 : i64, tpu.core_type = #tpu.core_type<sc_vector_subcore>, window_params = [{transform_indices = #map}, {transform_indices = #map}, {transform_indices = #map1}, {transform_indices = #map1}, {transform_indices = #map1}, {transform_indices = #map1}, {transform_indices = #map1}, {transform_indices = #map1}]} {
    %mul3A = arith.constant 16 : i32
    %mul3A_0 = arith.muli %arg0, %mul3A : i32
    %add3A = arith.addi %mul3A_0, %arg1 : i32
    %mul3A_1 = arith.constant 512 : i32
    %mul3A_2 = arith.muli %add3A, %mul3A_1 : i32
    %add3A_3 = arith.constant 0 : i32
    %add3A_4 = arith.addi %add3A_3, %mul3A_2 : i32
    "tpu.region"() ({
      %run_scoped3A = tpu.sem_alloc : memref<!tpu.dma_semaphore, #tpu.memory_space<semaphore_mem>>
      %dma_start3A_38 = tpu.memref_slice %arg2[%add3A_4] : memref<16384xi32, #tpu.memory_space<hbm>> -> memref<512xi32, #tpu.memory_space<hbm>>
      %dma_start3A_39 = tpu.memref_slice %arg2[%add3A_4] : memref<16384xi32, #tpu.memory_space<hbm>> -> memref<512xi32, #tpu.memory_space<hbm>>
      tpu.enqueue_dma source(%dma_start3A_39 : memref<512xi32, #tpu.memory_space<hbm>>) target(%arg10 : memref<512xi32, #tpu.memory_space<vmem>>) target_semaphore(%run_scoped3A : memref<!tpu.dma_semaphore, #tpu.memory_space<semaphore_mem>>)
      %dma_wait3A_40 = tpu.memref_slice %arg2[%add3A_4] : memref<16384xi32, #tpu.memory_space<hbm>> -> memref<512xi32, #tpu.memory_space<hbm>>
      %dma_wait3A_41 = tpu.memref_slice %arg2[%add3A_4] : memref<16384xi32, #tpu.memory_space<hbm>> -> memref<512xi32, #tpu.memory_space<hbm>>
      tpu.wait_dma2 semaphore(%run_scoped3A : memref<!tpu.dma_semaphore, #tpu.memory_space<semaphore_mem>>) src(%dma_wait3A_41 : memref<512xi32, #tpu.memory_space<hbm>>) dst(%arg10 : memref<512xi32, #tpu.memory_space<vmem>>)
      tpu.yield
    }) : () -> ()
    %mul3A_5 = arith.constant 512 : i32
    %mul3A_6 = arith.muli %add3A, %mul3A_5 : i32
    "tpu.region"() ({
      %run_scoped3A = tpu.sem_alloc : memref<!tpu.dma_semaphore, #tpu.memory_space<semaphore_mem>>
      %dma_start3A_38 = tpu.memref_slice %arg3[%mul3A_6] : memref<16384xi32, #tpu.memory_space<hbm>> -> memref<512xi32, #tpu.memory_space<hbm>>
      %dma_start3A_39 = tpu.memref_slice %arg3[%mul3A_6] : memref<16384xi32, #tpu.memory_space<hbm>> -> memref<512xi32, #tpu.memory_space<hbm>>
      tpu.enqueue_dma source(%dma_start3A_39 : memref<512xi32, #tpu.memory_space<hbm>>) target(%arg11 : memref<512xi32, #tpu.memory_space<vmem>>) target_semaphore(%run_scoped3A : memref<!tpu.dma_semaphore, #tpu.memory_space<semaphore_mem>>)
      %dma_wait3A_40 = tpu.memref_slice %arg3[%mul3A_6] : memref<16384xi32, #tpu.memory_space<hbm>> -> memref<512xi32, #tpu.memory_space<hbm>>
      %dma_wait3A_41 = tpu.memref_slice %arg3[%mul3A_6] : memref<16384xi32, #tpu.memory_space<hbm>> -> memref<512xi32, #tpu.memory_space<hbm>>
      tpu.wait_dma2 semaphore(%run_scoped3A : memref<!tpu.dma_semaphore, #tpu.memory_space<semaphore_mem>>) src(%dma_wait3A_41 : memref<512xi32, #tpu.memory_space<hbm>>) dst(%arg11 : memref<512xi32, #tpu.memory_space<vmem>>)
      tpu.yield
    }) : () -> ()
    %dma_start3A = arith.constant 0 : i32
    %dma_start3A_7 = tpu.memref_slice %arg10[%dma_start3A] : memref<512xi32, #tpu.memory_space<vmem>> -> memref<128xi32, #tpu.memory_space<vmem>>
    %dma_start3A_8 = arith.constant 0 : i32
    %dma_start3A_9 = arith.constant 0 : i32
    %dma_start3A_10 = tpu.memref_slice %arg4[%dma_start3A_8, %dma_start3A_9] : memref<100000x2048xf32, #tpu.memory_space<hbm>> -> memref<100000x256xf32, #tpu.memory_space<hbm>>
    tpu.enqueue_indirect_dma source(%dma_start3A_10 : memref<100000x256xf32, #tpu.memory_space<hbm>>) target(%arg12 : memref<128x256xf32, #tpu.memory_space<vmem>>) offsets(%dma_start3A_7 : memref<128xi32, #tpu.memory_space<vmem>>) semaphore(%arg16 : memref<!tpu.dma_semaphore, #tpu.memory_space<semaphore_mem>>)
    %scan3A = arith.constant 0 : i32
    %scan3A_11 = arith.constant 15 : i32
    %scan3A_12 = arith.addi %scan3A, %scan3A_11 : i32
    %scan3A_13 = arith.constant 1 : i32
    scf.for %scan3A_38 = %scan3A to %scan3A_12 step %scan3A_13  : i32 {
      %mul3A_39 = arith.constant 1 : i32
      %mul3A_40 = arith.muli %scan3A_38, %mul3A_39 : i32
      %add3A_41 = arith.constant 0 : i32
      %add3A_42 = arith.addi %add3A_41, %mul3A_40 : i32
      %jit3A = arith.constant 2 : i32
      %div3A = arith.divsi %add3A_42, %jit3A : i32
      %sign3A = arith.constant 0 : i32
      %sign3A_43 = arith.cmpi sgt, %add3A_42, %sign3A : i32
      %sign3A_44 = arith.extui %sign3A_43 : i1 to i32
      %sign3A_45 = arith.constant 0 : i32
      %sign3A_46 = arith.cmpi slt, %add3A_42, %sign3A_45 : i32
      %sign3A_47 = arith.extui %sign3A_46 : i1 to i32
      %sign3A_48 = arith.subi %sign3A_44, %sign3A_47 : i32
      %sign3A_49 = arith.constant 0 : i32
      %sign3A_50 = arith.cmpi sgt, %jit3A, %sign3A_49 : i32
      %sign3A_51 = arith.extui %sign3A_50 : i1 to i32
      %sign3A_52 = arith.constant 0 : i32
      %sign3A_53 = arith.cmpi slt, %jit3A, %sign3A_52 : i32
      %sign3A_54 = arith.extui %sign3A_53 : i1 to i32
      %sign3A_55 = arith.subi %sign3A_51, %sign3A_54 : i32
      %ne3A = arith.cmpi ne, %sign3A_48, %sign3A_55 : i32
      %rem3A = arith.remsi %add3A_42, %jit3A : i32
      %ne3A_56 = arith.constant 0 : i32
      %ne3A_57 = arith.cmpi ne, %rem3A, %ne3A_56 : i32
      %and3A = arith.andi %ne3A, %ne3A_57 : i1
      %sub3A = arith.constant 1 : i32
      %sub3A_58 = arith.subi %div3A, %sub3A : i32
      %select_n3A = arith.select %and3A, %sub3A_58, %div3A : i32
      %lt3A = arith.constant 8 : i32
      %lt3A_59 = arith.cmpi slt, %add3A_42, %lt3A : i32
      %jit3A_60 = arith.constant 2 : i32
      %eq3A = arith.constant 0 : i32
      %eq3A_61 = arith.cmpi eq, %jit3A_60, %eq3A : i32
      %jit3A_62 = arith.constant 1 : i32
      %select_n3A_63 = arith.select %eq3A_61, %jit3A_62, %jit3A_60 : i32
      %rem3A_64 = arith.remsi %add3A_42, %select_n3A_63 : i32
      %ne3A_65 = arith.constant 0 : i32
      %ne3A_66 = arith.cmpi ne, %rem3A_64, %ne3A_65 : i32
      %lt3A_67 = arith.constant 0 : i32
      %lt3A_68 = arith.cmpi slt, %rem3A_64, %lt3A_67 : i32
      %lt3A_69 = arith.constant 0 : i32
      %lt3A_70 = arith.cmpi slt, %select_n3A_63, %lt3A_69 : i32
      %ne3A_71 = arith.xori %lt3A_68, %lt3A_70 : i1
      %and3A_72 = arith.andi %ne3A_71, %ne3A_66 : i1
      %add3A_73 = arith.addi %rem3A_64, %select_n3A_63 : i32
      %select_n3A_74 = arith.select %and3A_72, %add3A_73, %rem3A_64 : i32
      %eq3A_75 = arith.constant 0 : i32
      %eq3A_76 = arith.cmpi eq, %select_n3A_74, %eq3A_75 : i32
      %and3A_77 = arith.andi %lt3A_59, %eq3A_76 : i1
      %convert_element_type3A = arith.extui %and3A_77 : i1 to i32
      %cond3A = arith.constant 0 : i32
      %cond3A_78 = arith.cmpi ne, %convert_element_type3A, %cond3A : i32
      scf.if %cond3A_78 {
        %gt3A = arith.constant 0 : i32
        %gt3A_151 = arith.cmpi sgt, %select_n3A, %gt3A : i32
        %convert_element_type3A_152 = arith.extui %gt3A_151 : i1 to i32
        %cond3A_153 = arith.constant 0 : i32
        %cond3A_154 = arith.cmpi ne, %convert_element_type3A_152, %cond3A_153 : i32
        scf.if %cond3A_154 {
          %dma_wait3A_161 = arith.constant 0 : i32
          %dma_wait3A_162 = arith.constant 0 : i32
          %dma_wait3A_163 = tpu.memref_slice %arg9[%dma_wait3A_161, %dma_wait3A_162] : memref<16384x128xf32, #tpu.memory_space<hbm>> -> memref<128x128xf32, #tpu.memory_space<hbm>>
          %dma_wait3A_164 = arith.constant 0 : i32
          %dma_wait3A_165 = arith.constant 0 : i32
          %dma_wait3A_166 = tpu.memref_slice %arg9[%dma_wait3A_164, %dma_wait3A_165] : memref<16384x128xf32, #tpu.memory_space<hbm>> -> memref<128x128xf32, #tpu.memory_space<hbm>>
          tpu.wait_dma2 semaphore(%arg23 : memref<!tpu.dma_semaphore, #tpu.memory_space<semaphore_mem>>) src(%arg15 : memref<128x128xf32, #tpu.memory_space<vmem>>) dst(%dma_wait3A_166 : memref<128x128xf32, #tpu.memory_space<hbm>>)
        } else {
        }
        %mul3A_155 = arith.constant 128 : i32
        %mul3A_156 = arith.muli %select_n3A, %mul3A_155 : i32
        %dma_start3A_157 = tpu.memref_slice %arg11[%mul3A_156] : memref<512xi32, #tpu.memory_space<vmem>> -> memref<128xi32, #tpu.memory_space<vmem>>
        %dma_start3A_158 = arith.constant 0 : i32
        %dma_start3A_159 = arith.constant 0 : i32
        %dma_start3A_160 = tpu.memref_slice %arg6[%dma_start3A_158, %dma_start3A_159] : memref<100000x128xf32, #tpu.memory_space<hbm>> -> memref<100000x128xf32, #tpu.memory_space<hbm>>
        tpu.enqueue_indirect_dma source(%dma_start3A_160 : memref<100000x128xf32, #tpu.memory_space<hbm>>) target(%arg15 : memref<128x128xf32, #tpu.memory_space<vmem>>) offsets(%dma_start3A_157 : memref<128xi32, #tpu.memory_space<vmem>>) semaphore(%arg22 : memref<!tpu.dma_semaphore, #tpu.memory_space<semaphore_mem>>)
      } else {
      }
      %lt3A_79 = arith.constant 8 : i32
      %lt3A_80 = arith.cmpi slt, %add3A_42, %lt3A_79 : i32
      %jit3A_81 = arith.constant 2 : i32
      %eq3A_82 = arith.constant 0 : i32
      %eq3A_83 = arith.cmpi eq, %jit3A_81, %eq3A_82 : i32
      %jit3A_84 = arith.constant 1 : i32
      %select_n3A_85 = arith.select %eq3A_83, %jit3A_84, %jit3A_81 : i32
      %rem3A_86 = arith.remsi %add3A_42, %select_n3A_85 : i32
      %ne3A_87 = arith.constant 0 : i32
      %ne3A_88 = arith.cmpi ne, %rem3A_86, %ne3A_87 : i32
      %lt3A_89 = arith.constant 0 : i32
      %lt3A_90 = arith.cmpi slt, %rem3A_86, %lt3A_89 : i32
      %lt3A_91 = arith.constant 0 : i32
      %lt3A_92 = arith.cmpi slt, %select_n3A_85, %lt3A_91 : i32
      %ne3A_93 = arith.xori %lt3A_90, %lt3A_92 : i1
      %and3A_94 = arith.andi %ne3A_93, %ne3A_88 : i1
      %add3A_95 = arith.addi %rem3A_86, %select_n3A_85 : i32
      %select_n3A_96 = arith.select %and3A_94, %add3A_95, %rem3A_86 : i32
      %eq3A_97 = arith.constant 1 : i32
      %eq3A_98 = arith.cmpi eq, %select_n3A_96, %eq3A_97 : i32
      %and3A_99 = arith.andi %lt3A_80, %eq3A_98 : i1
      %convert_element_type3A_100 = arith.extui %and3A_99 : i1 to i32
      %cond3A_101 = arith.constant 0 : i32
      %cond3A_102 = arith.cmpi ne, %convert_element_type3A_100, %cond3A_101 : i32
      scf.if %cond3A_102 {
        %dma_wait3A_151 = arith.constant 0 : i32
        %dma_wait3A_152 = arith.constant 0 : i32
        %dma_wait3A_153 = tpu.memref_slice %arg6[%dma_wait3A_151, %dma_wait3A_152] : memref<100000x128xf32, #tpu.memory_space<hbm>> -> memref<128x128xf32, #tpu.memory_space<hbm>>
        %dma_wait3A_154 = arith.constant 0 : i32
        %dma_wait3A_155 = arith.constant 0 : i32
        %dma_wait3A_156 = tpu.memref_slice %arg6[%dma_wait3A_154, %dma_wait3A_155] : memref<100000x128xf32, #tpu.memory_space<hbm>> -> memref<128x128xf32, #tpu.memory_space<hbm>>
        tpu.wait_dma2 semaphore(%arg22 : memref<!tpu.dma_semaphore, #tpu.memory_space<semaphore_mem>>) src(%dma_wait3A_156 : memref<128x128xf32, #tpu.memory_space<hbm>>) dst(%arg15 : memref<128x128xf32, #tpu.memory_space<vmem>>)
        %mul3A_157 = arith.constant 512 : i32
        %mul3A_158 = arith.muli %add3A, %mul3A_157 : i32
        %mul3A_159 = arith.constant 128 : i32
        %mul3A_160 = arith.muli %select_n3A, %mul3A_159 : i32
        %add3A_161 = arith.addi %mul3A_158, %mul3A_160 : i32
        %dma_start3A_162 = arith.constant 0 : i32
        %dma_start3A_163 = tpu.memref_slice %arg9[%add3A_161, %dma_start3A_162] : memref<16384x128xf32, #tpu.memory_space<hbm>> -> memref<128x128xf32, #tpu.memory_space<hbm>>
        %dma_start3A_164 = arith.constant 0 : i32
        %dma_start3A_165 = tpu.memref_slice %arg9[%add3A_161, %dma_start3A_164] : memref<16384x128xf32, #tpu.memory_space<hbm>> -> memref<128x128xf32, #tpu.memory_space<hbm>>
        tpu.enqueue_dma source(%arg15 : memref<128x128xf32, #tpu.memory_space<vmem>>) target(%dma_start3A_165 : memref<128x128xf32, #tpu.memory_space<hbm>>) target_semaphore(%arg23 : memref<!tpu.dma_semaphore, #tpu.memory_space<semaphore_mem>>)
      } else {
      }
      %mul3A_103 = arith.constant 3 : i32
      %mul3A_104 = arith.muli %add3A_42, %mul3A_103 : i32
      %add3A_105 = arith.constant 0 : i32
      %add3A_106 = arith.addi %mul3A_104, %add3A_105 : i32
      %add3A_107 = arith.constant 1 : i32
      %add3A_108 = arith.addi %add3A_106, %add3A_107 : i32
      %lt3A_109 = arith.constant 44 : i32
      %lt3A_110 = arith.cmpi slt, %add3A_108, %lt3A_109 : i32
      %convert_element_type3A_111 = arith.extui %lt3A_110 : i1 to i32
      %cond3A_112 = arith.constant 0 : i32
      %cond3A_113 = arith.cmpi ne, %convert_element_type3A_111, %cond3A_112 : i32
      scf.if %cond3A_113 {
        %ge3A = arith.constant 3 : i32
        %ge3A_151 = arith.cmpi sge, %add3A_108, %ge3A : i32
        %convert_element_type3A_152 = arith.extui %ge3A_151 : i1 to i32
        %cond3A_153 = arith.constant 0 : i32
        %cond3A_154 = arith.cmpi ne, %convert_element_type3A_152, %cond3A_153 : i32
        scf.if %cond3A_154 {
          %dma_wait3A_194 = arith.constant 0 : i32
          %dma_wait3A_195 = arith.constant 0 : i32
          %dma_wait3A_196 = tpu.memref_slice %arg7[%dma_wait3A_194, %dma_wait3A_195] : memref<131072x256xf32, #tpu.memory_space<hbm>> -> memref<128x256xf32, #tpu.memory_space<hbm>>
          %dma_wait3A_197 = arith.constant 0 : i32
          %dma_wait3A_198 = arith.constant 0 : i32
          %dma_wait3A_199 = tpu.memref_slice %arg7[%dma_wait3A_197, %dma_wait3A_198] : memref<131072x256xf32, #tpu.memory_space<hbm>> -> memref<128x256xf32, #tpu.memory_space<hbm>>
          tpu.wait_dma2 semaphore(%arg20 : memref<!tpu.dma_semaphore, #tpu.memory_space<semaphore_mem>>) src(%arg13 : memref<128x256xf32, #tpu.memory_space<vmem>>) dst(%dma_wait3A_199 : memref<128x256xf32, #tpu.memory_space<hbm>>)
        } else {
        }
        %jit3A_155 = arith.constant 11 : i32
        %div3A_156 = arith.divsi %add3A_108, %jit3A_155 : i32
        %sign3A_157 = arith.constant 0 : i32
        %sign3A_158 = arith.cmpi sgt, %add3A_108, %sign3A_157 : i32
        %sign3A_159 = arith.extui %sign3A_158 : i1 to i32
        %sign3A_160 = arith.constant 0 : i32
        %sign3A_161 = arith.cmpi slt, %add3A_108, %sign3A_160 : i32
        %sign3A_162 = arith.extui %sign3A_161 : i1 to i32
        %sign3A_163 = arith.subi %sign3A_159, %sign3A_162 : i32
        %sign3A_164 = arith.constant 0 : i32
        %sign3A_165 = arith.cmpi sgt, %jit3A_155, %sign3A_164 : i32
        %sign3A_166 = arith.extui %sign3A_165 : i1 to i32
        %sign3A_167 = arith.constant 0 : i32
        %sign3A_168 = arith.cmpi slt, %jit3A_155, %sign3A_167 : i32
        %sign3A_169 = arith.extui %sign3A_168 : i1 to i32
        %sign3A_170 = arith.subi %sign3A_166, %sign3A_169 : i32
        %ne3A_171 = arith.cmpi ne, %sign3A_163, %sign3A_170 : i32
        %rem3A_172 = arith.remsi %add3A_108, %jit3A_155 : i32
        %ne3A_173 = arith.constant 0 : i32
        %ne3A_174 = arith.cmpi ne, %rem3A_172, %ne3A_173 : i32
        %and3A_175 = arith.andi %ne3A_171, %ne3A_174 : i1
        %sub3A_176 = arith.constant 1 : i32
        %sub3A_177 = arith.subi %div3A_156, %sub3A_176 : i32
        %select_n3A_178 = arith.select %and3A_175, %sub3A_177, %div3A_156 : i32
        %mul3A_179 = arith.constant 11 : i32
        %mul3A_180 = arith.muli %select_n3A_178, %mul3A_179 : i32
        %sub3A_181 = arith.subi %add3A_108, %mul3A_180 : i32
        %mul3A_182 = arith.constant 128 : i32
        %mul3A_183 = arith.muli %select_n3A_178, %mul3A_182 : i32
        %lt3A_184 = arith.constant 8 : i32
        %lt3A_185 = arith.cmpi slt, %sub3A_181, %lt3A_184 : i32
        %convert_element_type3A_186 = arith.extui %lt3A_185 : i1 to i32
        %cond3A_187 = arith.constant 0 : i32
        %cond3A_188 = arith.cmpi ne, %convert_element_type3A_186, %cond3A_187 : i32
        scf.if %cond3A_188 {
          %mul3A_194 = arith.constant 256 : i32
          %mul3A_195 = arith.muli %sub3A_181, %mul3A_194 : i32
          %dma_start3A_196 = tpu.memref_slice %arg10[%mul3A_183] : memref<512xi32, #tpu.memory_space<vmem>> -> memref<128xi32, #tpu.memory_space<vmem>>
          %dma_start3A_197 = arith.constant 0 : i32
          %dma_start3A_198 = tpu.memref_slice %arg4[%dma_start3A_197, %mul3A_195] : memref<100000x2048xf32, #tpu.memory_space<hbm>> -> memref<100000x256xf32, #tpu.memory_space<hbm>>
          tpu.enqueue_indirect_dma source(%dma_start3A_198 : memref<100000x256xf32, #tpu.memory_space<hbm>>) target(%arg13 : memref<128x256xf32, #tpu.memory_space<vmem>>) offsets(%dma_start3A_196 : memref<128xi32, #tpu.memory_space<vmem>>) semaphore(%arg17 : memref<!tpu.dma_semaphore, #tpu.memory_space<semaphore_mem>>)
        } else {
        }
        %ge3A_189 = arith.constant 8 : i32
        %ge3A_190 = arith.cmpi sge, %sub3A_181, %ge3A_189 : i32
        %convert_element_type3A_191 = arith.extui %ge3A_190 : i1 to i32
        %cond3A_192 = arith.constant 0 : i32
        %cond3A_193 = arith.cmpi ne, %convert_element_type3A_191, %cond3A_192 : i32
        scf.if %cond3A_193 {
          %sub3A_194 = arith.constant 8 : i32
          %sub3A_195 = arith.subi %sub3A_181, %sub3A_194 : i32
          %mul3A_196 = arith.constant 256 : i32
          %mul3A_197 = arith.muli %sub3A_195, %mul3A_196 : i32
          %dma_start3A_198 = tpu.memref_slice %arg10[%mul3A_183] : memref<512xi32, #tpu.memory_space<vmem>> -> memref<128xi32, #tpu.memory_space<vmem>>
          %dma_start3A_199 = arith.constant 0 : i32
          %dma_start3A_200 = tpu.memref_slice %arg5[%dma_start3A_199, %mul3A_197] : memref<100000x768xf32, #tpu.memory_space<hbm>> -> memref<100000x256xf32, #tpu.memory_space<hbm>>
          tpu.enqueue_indirect_dma source(%dma_start3A_200 : memref<100000x256xf32, #tpu.memory_space<hbm>>) target(%arg13 : memref<128x256xf32, #tpu.memory_space<vmem>>) offsets(%dma_start3A_198 : memref<128xi32, #tpu.memory_space<vmem>>) semaphore(%arg17 : memref<!tpu.dma_semaphore, #tpu.memory_space<semaphore_mem>>)
        } else {
        }
      } else {
      }
      %lt3A_114 = arith.constant 44 : i32
      %lt3A_115 = arith.cmpi slt, %add3A_106, %lt3A_114 : i32
      %convert_element_type3A_116 = arith.extui %lt3A_115 : i1 to i32
      %cond3A_117 = arith.constant 0 : i32
      %cond3A_118 = arith.cmpi ne, %convert_element_type3A_116, %cond3A_117 : i32
      scf.if %cond3A_118 {
        %dma_wait3A_151 = arith.constant 0 : i32
        %dma_wait3A_152 = arith.constant 0 : i32
        %dma_wait3A_153 = tpu.memref_slice %arg4[%dma_wait3A_151, %dma_wait3A_152] : memref<100000x2048xf32, #tpu.memory_space<hbm>> -> memref<128x256xf32, #tpu.memory_space<hbm>>
        %dma_wait3A_154 = arith.constant 0 : i32
        %dma_wait3A_155 = arith.constant 0 : i32
        %dma_wait3A_156 = tpu.memref_slice %arg4[%dma_wait3A_154, %dma_wait3A_155] : memref<100000x2048xf32, #tpu.memory_space<hbm>> -> memref<128x256xf32, #tpu.memory_space<hbm>>
        tpu.wait_dma2 semaphore(%arg16 : memref<!tpu.dma_semaphore, #tpu.memory_space<semaphore_mem>>) src(%dma_wait3A_156 : memref<128x256xf32, #tpu.memory_space<hbm>>) dst(%arg12 : memref<128x256xf32, #tpu.memory_space<vmem>>)
        %jit3A_157 = arith.constant 11 : i32
        %div3A_158 = arith.divsi %add3A_106, %jit3A_157 : i32
        %sign3A_159 = arith.constant 0 : i32
        %sign3A_160 = arith.cmpi sgt, %add3A_106, %sign3A_159 : i32
        %sign3A_161 = arith.extui %sign3A_160 : i1 to i32
        %sign3A_162 = arith.constant 0 : i32
        %sign3A_163 = arith.cmpi slt, %add3A_106, %sign3A_162 : i32
        %sign3A_164 = arith.extui %sign3A_163 : i1 to i32
        %sign3A_165 = arith.subi %sign3A_161, %sign3A_164 : i32
        %sign3A_166 = arith.constant 0 : i32
        %sign3A_167 = arith.cmpi sgt, %jit3A_157, %sign3A_166 : i32
        %sign3A_168 = arith.extui %sign3A_167 : i1 to i32
        %sign3A_169 = arith.constant 0 : i32
        %sign3A_170 = arith.cmpi slt, %jit3A_157, %sign3A_169 : i32
        %sign3A_171 = arith.extui %sign3A_170 : i1 to i32
        %sign3A_172 = arith.subi %sign3A_168, %sign3A_171 : i32
        %ne3A_173 = arith.cmpi ne, %sign3A_165, %sign3A_172 : i32
        %rem3A_174 = arith.remsi %add3A_106, %jit3A_157 : i32
        %ne3A_175 = arith.constant 0 : i32
        %ne3A_176 = arith.cmpi ne, %rem3A_174, %ne3A_175 : i32
        %and3A_177 = arith.andi %ne3A_173, %ne3A_176 : i1
        %sub3A_178 = arith.constant 1 : i32
        %sub3A_179 = arith.subi %div3A_158, %sub3A_178 : i32
        %select_n3A_180 = arith.select %and3A_177, %sub3A_179, %div3A_158 : i32
        %mul3A_181 = arith.constant 11 : i32
        %mul3A_182 = arith.muli %select_n3A_180, %mul3A_181 : i32
        %sub3A_183 = arith.subi %add3A_106, %mul3A_182 : i32
        %mul3A_184 = arith.constant 128 : i32
        %mul3A_185 = arith.muli %select_n3A_180, %mul3A_184 : i32
        %add3A_186 = arith.addi %mul3A_2, %mul3A_185 : i32
        %lt3A_187 = arith.constant 8 : i32
        %lt3A_188 = arith.cmpi slt, %sub3A_183, %lt3A_187 : i32
        %convert_element_type3A_189 = arith.extui %lt3A_188 : i1 to i32
        %cond3A_190 = arith.constant 0 : i32
        %cond3A_191 = arith.cmpi ne, %convert_element_type3A_189, %cond3A_190 : i32
        scf.if %cond3A_191 {
          %mul3A_196 = arith.constant 16384 : i32
          %mul3A_197 = arith.muli %sub3A_183, %mul3A_196 : i32
          %add3A_198 = arith.addi %mul3A_197, %add3A_186 : i32
          %dma_start3A_199 = arith.constant 0 : i32
          %dma_start3A_200 = tpu.memref_slice %arg7[%add3A_198, %dma_start3A_199] : memref<131072x256xf32, #tpu.memory_space<hbm>> -> memref<128x256xf32, #tpu.memory_space<hbm>>
          %dma_start3A_201 = arith.constant 0 : i32
          %dma_start3A_202 = tpu.memref_slice %arg7[%add3A_198, %dma_start3A_201] : memref<131072x256xf32, #tpu.memory_space<hbm>> -> memref<128x256xf32, #tpu.memory_space<hbm>>
          tpu.enqueue_dma source(%arg12 : memref<128x256xf32, #tpu.memory_space<vmem>>) target(%dma_start3A_202 : memref<128x256xf32, #tpu.memory_space<hbm>>) target_semaphore(%arg19 : memref<!tpu.dma_semaphore, #tpu.memory_space<semaphore_mem>>)
        } else {
        }
        %ge3A = arith.constant 8 : i32
        %ge3A_192 = arith.cmpi sge, %sub3A_183, %ge3A : i32
        %convert_element_type3A_193 = arith.extui %ge3A_192 : i1 to i32
        %cond3A_194 = arith.constant 0 : i32
        %cond3A_195 = arith.cmpi ne, %convert_element_type3A_193, %cond3A_194 : i32
        scf.if %cond3A_195 {
          %sub3A_196 = arith.constant 8 : i32
          %sub3A_197 = arith.subi %sub3A_183, %sub3A_196 : i32
          %mul3A_198 = arith.constant 16384 : i32
          %mul3A_199 = arith.muli %sub3A_197, %mul3A_198 : i32
          %add3A_200 = arith.addi %mul3A_199, %add3A_186 : i32
          %dma_start3A_201 = arith.constant 0 : i32
          %dma_start3A_202 = tpu.memref_slice %arg8[%add3A_200, %dma_start3A_201] : memref<49152x256xf32, #tpu.memory_space<hbm>> -> memref<128x256xf32, #tpu.memory_space<hbm>>
          %dma_start3A_203 = arith.constant 0 : i32
          %dma_start3A_204 = tpu.memref_slice %arg8[%add3A_200, %dma_start3A_203] : memref<49152x256xf32, #tpu.memory_space<hbm>> -> memref<128x256xf32, #tpu.memory_space<hbm>>
          tpu.enqueue_dma source(%arg12 : memref<128x256xf32, #tpu.memory_space<vmem>>) target(%dma_start3A_204 : memref<128x256xf32, #tpu.memory_space<hbm>>) target_semaphore(%arg19 : memref<!tpu.dma_semaphore, #tpu.memory_space<semaphore_mem>>)
        } else {
        }
      } else {
      }
      %mul3A_119 = arith.constant 3 : i32
      %mul3A_120 = arith.muli %add3A_42, %mul3A_119 : i32
      %add3A_121 = arith.constant 1 : i32
      %add3A_122 = arith.addi %mul3A_120, %add3A_121 : i32
      %add3A_123 = arith.constant 1 : i32
      %add3A_124 = arith.addi %add3A_122, %add3A_123 : i32
      %lt3A_125 = arith.constant 44 : i32
      %lt3A_126 = arith.cmpi slt, %add3A_124, %lt3A_125 : i32
      %convert_element_type3A_127 = arith.extui %lt3A_126 : i1 to i32
      %cond3A_128 = arith.constant 0 : i32
      %cond3A_129 = arith.cmpi ne, %convert_element_type3A_127, %cond3A_128 : i32
      scf.if %cond3A_129 {
        %ge3A = arith.constant 3 : i32
        %ge3A_151 = arith.cmpi sge, %add3A_124, %ge3A : i32
        %convert_element_type3A_152 = arith.extui %ge3A_151 : i1 to i32
        %cond3A_153 = arith.constant 0 : i32
        %cond3A_154 = arith.cmpi ne, %convert_element_type3A_152, %cond3A_153 : i32
        scf.if %cond3A_154 {
          %dma_wait3A_194 = arith.constant 0 : i32
          %dma_wait3A_195 = arith.constant 0 : i32
          %dma_wait3A_196 = tpu.memref_slice %arg7[%dma_wait3A_194, %dma_wait3A_195] : memref<131072x256xf32, #tpu.memory_space<hbm>> -> memref<128x256xf32, #tpu.memory_space<hbm>>
          %dma_wait3A_197 = arith.constant 0 : i32
          %dma_wait3A_198 = arith.constant 0 : i32
          %dma_wait3A_199 = tpu.memref_slice %arg7[%dma_wait3A_197, %dma_wait3A_198] : memref<131072x256xf32, #tpu.memory_space<hbm>> -> memref<128x256xf32, #tpu.memory_space<hbm>>
          tpu.wait_dma2 semaphore(%arg21 : memref<!tpu.dma_semaphore, #tpu.memory_space<semaphore_mem>>) src(%arg14 : memref<128x256xf32, #tpu.memory_space<vmem>>) dst(%dma_wait3A_199 : memref<128x256xf32, #tpu.memory_space<hbm>>)
        } else {
        }
        %jit3A_155 = arith.constant 11 : i32
        %div3A_156 = arith.divsi %add3A_124, %jit3A_155 : i32
        %sign3A_157 = arith.constant 0 : i32
        %sign3A_158 = arith.cmpi sgt, %add3A_124, %sign3A_157 : i32
        %sign3A_159 = arith.extui %sign3A_158 : i1 to i32
        %sign3A_160 = arith.constant 0 : i32
        %sign3A_161 = arith.cmpi slt, %add3A_124, %sign3A_160 : i32
        %sign3A_162 = arith.extui %sign3A_161 : i1 to i32
        %sign3A_163 = arith.subi %sign3A_159, %sign3A_162 : i32
        %sign3A_164 = arith.constant 0 : i32
        %sign3A_165 = arith.cmpi sgt, %jit3A_155, %sign3A_164 : i32
        %sign3A_166 = arith.extui %sign3A_165 : i1 to i32
        %sign3A_167 = arith.constant 0 : i32
        %sign3A_168 = arith.cmpi slt, %jit3A_155, %sign3A_167 : i32
        %sign3A_169 = arith.extui %sign3A_168 : i1 to i32
        %sign3A_170 = arith.subi %sign3A_166, %sign3A_169 : i32
        %ne3A_171 = arith.cmpi ne, %sign3A_163, %sign3A_170 : i32
        %rem3A_172 = arith.remsi %add3A_124, %jit3A_155 : i32
        %ne3A_173 = arith.constant 0 : i32
        %ne3A_174 = arith.cmpi ne, %rem3A_172, %ne3A_173 : i32
        %and3A_175 = arith.andi %ne3A_171, %ne3A_174 : i1
        %sub3A_176 = arith.constant 1 : i32
        %sub3A_177 = arith.subi %div3A_156, %sub3A_176 : i32
        %select_n3A_178 = arith.select %and3A_175, %sub3A_177, %div3A_156 : i32
        %mul3A_179 = arith.constant 11 : i32
        %mul3A_180 = arith.muli %select_n3A_178, %mul3A_179 : i32
        %sub3A_181 = arith.subi %add3A_124, %mul3A_180 : i32
        %mul3A_182 = arith.constant 128 : i32
        %mul3A_183 = arith.muli %select_n3A_178, %mul3A_182 : i32
        %lt3A_184 = arith.constant 8 : i32
        %lt3A_185 = arith.cmpi slt, %sub3A_181, %lt3A_184 : i32
        %convert_element_type3A_186 = arith.extui %lt3A_185 : i1 to i32
        %cond3A_187 = arith.constant 0 : i32
        %cond3A_188 = arith.cmpi ne, %convert_element_type3A_186, %cond3A_187 : i32
        scf.if %cond3A_188 {
          %mul3A_194 = arith.constant 256 : i32
          %mul3A_195 = arith.muli %sub3A_181, %mul3A_194 : i32
          %dma_start3A_196 = tpu.memref_slice %arg10[%mul3A_183] : memref<512xi32, #tpu.memory_space<vmem>> -> memref<128xi32, #tpu.memory_space<vmem>>
          %dma_start3A_197 = arith.constant 0 : i32
          %dma_start3A_198 = tpu.memref_slice %arg4[%dma_start3A_197, %mul3A_195] : memref<100000x2048xf32, #tpu.memory_space<hbm>> -> memref<100000x256xf32, #tpu.memory_space<hbm>>
          tpu.enqueue_indirect_dma source(%dma_start3A_198 : memref<100000x256xf32, #tpu.memory_space<hbm>>) target(%arg14 : memref<128x256xf32, #tpu.memory_space<vmem>>) offsets(%dma_start3A_196 : memref<128xi32, #tpu.memory_space<vmem>>) semaphore(%arg18 : memref<!tpu.dma_semaphore, #tpu.memory_space<semaphore_mem>>)
        } else {
        }
        %ge3A_189 = arith.constant 8 : i32
        %ge3A_190 = arith.cmpi sge, %sub3A_181, %ge3A_189 : i32
        %convert_element_type3A_191 = arith.extui %ge3A_190 : i1 to i32
        %cond3A_192 = arith.constant 0 : i32
        %cond3A_193 = arith.cmpi ne, %convert_element_type3A_191, %cond3A_192 : i32
        scf.if %cond3A_193 {
          %sub3A_194 = arith.constant 8 : i32
          %sub3A_195 = arith.subi %sub3A_181, %sub3A_194 : i32
          %mul3A_196 = arith.constant 256 : i32
          %mul3A_197 = arith.muli %sub3A_195, %mul3A_196 : i32
          %dma_start3A_198 = tpu.memref_slice %arg10[%mul3A_183] : memref<512xi32, #tpu.memory_space<vmem>> -> memref<128xi32, #tpu.memory_space<vmem>>
          %dma_start3A_199 = arith.constant 0 : i32
          %dma_start3A_200 = tpu.memref_slice %arg5[%dma_start3A_199, %mul3A_197] : memref<100000x768xf32, #tpu.memory_space<hbm>> -> memref<100000x256xf32, #tpu.memory_space<hbm>>
          tpu.enqueue_indirect_dma source(%dma_start3A_200 : memref<100000x256xf32, #tpu.memory_space<hbm>>) target(%arg14 : memref<128x256xf32, #tpu.memory_space<vmem>>) offsets(%dma_start3A_198 : memref<128xi32, #tpu.memory_space<vmem>>) semaphore(%arg18 : memref<!tpu.dma_semaphore, #tpu.memory_space<semaphore_mem>>)
        } else {
        }
      } else {
      }
      %lt3A_130 = arith.constant 44 : i32
      %lt3A_131 = arith.cmpi slt, %add3A_122, %lt3A_130 : i32
      %convert_element_type3A_132 = arith.extui %lt3A_131 : i1 to i32
      %cond3A_133 = arith.constant 0 : i32
      %cond3A_134 = arith.cmpi ne, %convert_element_type3A_132, %cond3A_133 : i32
      scf.if %cond3A_134 {
        %dma_wait3A_151 = arith.constant 0 : i32
        %dma_wait3A_152 = arith.constant 0 : i32
        %dma_wait3A_153 = tpu.memref_slice %arg4[%dma_wait3A_151, %dma_wait3A_152] : memref<100000x2048xf32, #tpu.memory_space<hbm>> -> memref<128x256xf32, #tpu.memory_space<hbm>>
        %dma_wait3A_154 = arith.constant 0 : i32
        %dma_wait3A_155 = arith.constant 0 : i32
        %dma_wait3A_156 = tpu.memref_slice %arg4[%dma_wait3A_154, %dma_wait3A_155] : memref<100000x2048xf32, #tpu.memory_space<hbm>> -> memref<128x256xf32, #tpu.memory_space<hbm>>
        tpu.wait_dma2 semaphore(%arg17 : memref<!tpu.dma_semaphore, #tpu.memory_space<semaphore_mem>>) src(%dma_wait3A_156 : memref<128x256xf32, #tpu.memory_space<hbm>>) dst(%arg13 : memref<128x256xf32, #tpu.memory_space<vmem>>)
        %jit3A_157 = arith.constant 11 : i32
        %div3A_158 = arith.divsi %add3A_122, %jit3A_157 : i32
        %sign3A_159 = arith.constant 0 : i32
        %sign3A_160 = arith.cmpi sgt, %add3A_122, %sign3A_159 : i32
        %sign3A_161 = arith.extui %sign3A_160 : i1 to i32
        %sign3A_162 = arith.constant 0 : i32
        %sign3A_163 = arith.cmpi slt, %add3A_122, %sign3A_162 : i32
        %sign3A_164 = arith.extui %sign3A_163 : i1 to i32
        %sign3A_165 = arith.subi %sign3A_161, %sign3A_164 : i32
        %sign3A_166 = arith.constant 0 : i32
        %sign3A_167 = arith.cmpi sgt, %jit3A_157, %sign3A_166 : i32
        %sign3A_168 = arith.extui %sign3A_167 : i1 to i32
        %sign3A_169 = arith.constant 0 : i32
        %sign3A_170 = arith.cmpi slt, %jit3A_157, %sign3A_169 : i32
        %sign3A_171 = arith.extui %sign3A_170 : i1 to i32
        %sign3A_172 = arith.subi %sign3A_168, %sign3A_171 : i32
        %ne3A_173 = arith.cmpi ne, %sign3A_165, %sign3A_172 : i32
        %rem3A_174 = arith.remsi %add3A_122, %jit3A_157 : i32
        %ne3A_175 = arith.constant 0 : i32
        %ne3A_176 = arith.cmpi ne, %rem3A_174, %ne3A_175 : i32
        %and3A_177 = arith.andi %ne3A_173, %ne3A_176 : i1
        %sub3A_178 = arith.constant 1 : i32
        %sub3A_179 = arith.subi %div3A_158, %sub3A_178 : i32
        %select_n3A_180 = arith.select %and3A_177, %sub3A_179, %div3A_158 : i32
        %mul3A_181 = arith.constant 11 : i32
        %mul3A_182 = arith.muli %select_n3A_180, %mul3A_181 : i32
        %sub3A_183 = arith.subi %add3A_122, %mul3A_182 : i32
        %mul3A_184 = arith.constant 128 : i32
        %mul3A_185 = arith.muli %select_n3A_180, %mul3A_184 : i32
        %add3A_186 = arith.addi %mul3A_2, %mul3A_185 : i32
        %lt3A_187 = arith.constant 8 : i32
        %lt3A_188 = arith.cmpi slt, %sub3A_183, %lt3A_187 : i32
        %convert_element_type3A_189 = arith.extui %lt3A_188 : i1 to i32
        %cond3A_190 = arith.constant 0 : i32
        %cond3A_191 = arith.cmpi ne, %convert_element_type3A_189, %cond3A_190 : i32
        scf.if %cond3A_191 {
          %mul3A_196 = arith.constant 16384 : i32
          %mul3A_197 = arith.muli %sub3A_183, %mul3A_196 : i32
          %add3A_198 = arith.addi %mul3A_197, %add3A_186 : i32
          %dma_start3A_199 = arith.constant 0 : i32
          %dma_start3A_200 = tpu.memref_slice %arg7[%add3A_198, %dma_start3A_199] : memref<131072x256xf32, #tpu.memory_space<hbm>> -> memref<128x256xf32, #tpu.memory_space<hbm>>
          %dma_start3A_201 = arith.constant 0 : i32
          %dma_start3A_202 = tpu.memref_slice %arg7[%add3A_198, %dma_start3A_201] : memref<131072x256xf32, #tpu.memory_space<hbm>> -> memref<128x256xf32, #tpu.memory_space<hbm>>
          tpu.enqueue_dma source(%arg13 : memref<128x256xf32, #tpu.memory_space<vmem>>) target(%dma_start3A_202 : memref<128x256xf32, #tpu.memory_space<hbm>>) target_semaphore(%arg20 : memref<!tpu.dma_semaphore, #tpu.memory_space<semaphore_mem>>)
        } else {
        }
        %ge3A = arith.constant 8 : i32
        %ge3A_192 = arith.cmpi sge, %sub3A_183, %ge3A : i32
        %convert_element_type3A_193 = arith.extui %ge3A_192 : i1 to i32
        %cond3A_194 = arith.constant 0 : i32
        %cond3A_195 = arith.cmpi ne, %convert_element_type3A_193, %cond3A_194 : i32
        scf.if %cond3A_195 {
          %sub3A_196 = arith.constant 8 : i32
          %sub3A_197 = arith.subi %sub3A_183, %sub3A_196 : i32
          %mul3A_198 = arith.constant 16384 : i32
          %mul3A_199 = arith.muli %sub3A_197, %mul3A_198 : i32
          %add3A_200 = arith.addi %mul3A_199, %add3A_186 : i32
          %dma_start3A_201 = arith.constant 0 : i32
          %dma_start3A_202 = tpu.memref_slice %arg8[%add3A_200, %dma_start3A_201] : memref<49152x256xf32, #tpu.memory_space<hbm>> -> memref<128x256xf32, #tpu.memory_space<hbm>>
          %dma_start3A_203 = arith.constant 0 : i32
          %dma_start3A_204 = tpu.memref_slice %arg8[%add3A_200, %dma_start3A_203] : memref<49152x256xf32, #tpu.memory_space<hbm>> -> memref<128x256xf32, #tpu.memory_space<hbm>>
          tpu.enqueue_dma source(%arg13 : memref<128x256xf32, #tpu.memory_space<vmem>>) target(%dma_start3A_204 : memref<128x256xf32, #tpu.memory_space<hbm>>) target_semaphore(%arg20 : memref<!tpu.dma_semaphore, #tpu.memory_space<semaphore_mem>>)
        } else {
        }
      } else {
      }
      %mul3A_135 = arith.constant 3 : i32
      %mul3A_136 = arith.muli %add3A_42, %mul3A_135 : i32
      %add3A_137 = arith.constant 2 : i32
      %add3A_138 = arith.addi %mul3A_136, %add3A_137 : i32
      %add3A_139 = arith.constant 1 : i32
      %add3A_140 = arith.addi %add3A_138, %add3A_139 : i32
      %lt3A_141 = arith.constant 44 : i32
      %lt3A_142 = arith.cmpi slt, %add3A_140, %lt3A_141 : i32
      %convert_element_type3A_143 = arith.extui %lt3A_142 : i1 to i32
      %cond3A_144 = arith.constant 0 : i32
      %cond3A_145 = arith.cmpi ne, %convert_element_type3A_143, %cond3A_144 : i32
      scf.if %cond3A_145 {
        %ge3A = arith.constant 3 : i32
        %ge3A_151 = arith.cmpi sge, %add3A_140, %ge3A : i32
        %convert_element_type3A_152 = arith.extui %ge3A_151 : i1 to i32
        %cond3A_153 = arith.constant 0 : i32
        %cond3A_154 = arith.cmpi ne, %convert_element_type3A_152, %cond3A_153 : i32
        scf.if %cond3A_154 {
          %dma_wait3A_194 = arith.constant 0 : i32
          %dma_wait3A_195 = arith.constant 0 : i32
          %dma_wait3A_196 = tpu.memref_slice %arg7[%dma_wait3A_194, %dma_wait3A_195] : memref<131072x256xf32, #tpu.memory_space<hbm>> -> memref<128x256xf32, #tpu.memory_space<hbm>>
          %dma_wait3A_197 = arith.constant 0 : i32
          %dma_wait3A_198 = arith.constant 0 : i32
          %dma_wait3A_199 = tpu.memref_slice %arg7[%dma_wait3A_197, %dma_wait3A_198] : memref<131072x256xf32, #tpu.memory_space<hbm>> -> memref<128x256xf32, #tpu.memory_space<hbm>>
          tpu.wait_dma2 semaphore(%arg19 : memref<!tpu.dma_semaphore, #tpu.memory_space<semaphore_mem>>) src(%arg12 : memref<128x256xf32, #tpu.memory_space<vmem>>) dst(%dma_wait3A_199 : memref<128x256xf32, #tpu.memory_space<hbm>>)
        } else {
        }
        %jit3A_155 = arith.constant 11 : i32
        %div3A_156 = arith.divsi %add3A_140, %jit3A_155 : i32
        %sign3A_157 = arith.constant 0 : i32
        %sign3A_158 = arith.cmpi sgt, %add3A_140, %sign3A_157 : i32
        %sign3A_159 = arith.extui %sign3A_158 : i1 to i32
        %sign3A_160 = arith.constant 0 : i32
        %sign3A_161 = arith.cmpi slt, %add3A_140, %sign3A_160 : i32
        %sign3A_162 = arith.extui %sign3A_161 : i1 to i32
        %sign3A_163 = arith.subi %sign3A_159, %sign3A_162 : i32
        %sign3A_164 = arith.constant 0 : i32
        %sign3A_165 = arith.cmpi sgt, %jit3A_155, %sign3A_164 : i32
        %sign3A_166 = arith.extui %sign3A_165 : i1 to i32
        %sign3A_167 = arith.constant 0 : i32
        %sign3A_168 = arith.cmpi slt, %jit3A_155, %sign3A_167 : i32
        %sign3A_169 = arith.extui %sign3A_168 : i1 to i32
        %sign3A_170 = arith.subi %sign3A_166, %sign3A_169 : i32
        %ne3A_171 = arith.cmpi ne, %sign3A_163, %sign3A_170 : i32
        %rem3A_172 = arith.remsi %add3A_140, %jit3A_155 : i32
        %ne3A_173 = arith.constant 0 : i32
        %ne3A_174 = arith.cmpi ne, %rem3A_172, %ne3A_173 : i32
        %and3A_175 = arith.andi %ne3A_171, %ne3A_174 : i1
        %sub3A_176 = arith.constant 1 : i32
        %sub3A_177 = arith.subi %div3A_156, %sub3A_176 : i32
        %select_n3A_178 = arith.select %and3A_175, %sub3A_177, %div3A_156 : i32
        %mul3A_179 = arith.constant 11 : i32
        %mul3A_180 = arith.muli %select_n3A_178, %mul3A_179 : i32
        %sub3A_181 = arith.subi %add3A_140, %mul3A_180 : i32
        %mul3A_182 = arith.constant 128 : i32
        %mul3A_183 = arith.muli %select_n3A_178, %mul3A_182 : i32
        %lt3A_184 = arith.constant 8 : i32
        %lt3A_185 = arith.cmpi slt, %sub3A_181, %lt3A_184 : i32
        %convert_element_type3A_186 = arith.extui %lt3A_185 : i1 to i32
        %cond3A_187 = arith.constant 0 : i32
        %cond3A_188 = arith.cmpi ne, %convert_element_type3A_186, %cond3A_187 : i32
        scf.if %cond3A_188 {
          %mul3A_194 = arith.constant 256 : i32
          %mul3A_195 = arith.muli %sub3A_181, %mul3A_194 : i32
          %dma_start3A_196 = tpu.memref_slice %arg10[%mul3A_183] : memref<512xi32, #tpu.memory_space<vmem>> -> memref<128xi32, #tpu.memory_space<vmem>>
          %dma_start3A_197 = arith.constant 0 : i32
          %dma_start3A_198 = tpu.memref_slice %arg4[%dma_start3A_197, %mul3A_195] : memref<100000x2048xf32, #tpu.memory_space<hbm>> -> memref<100000x256xf32, #tpu.memory_space<hbm>>
          tpu.enqueue_indirect_dma source(%dma_start3A_198 : memref<100000x256xf32, #tpu.memory_space<hbm>>) target(%arg12 : memref<128x256xf32, #tpu.memory_space<vmem>>) offsets(%dma_start3A_196 : memref<128xi32, #tpu.memory_space<vmem>>) semaphore(%arg16 : memref<!tpu.dma_semaphore, #tpu.memory_space<semaphore_mem>>)
        } else {
        }
        %ge3A_189 = arith.constant 8 : i32
        %ge3A_190 = arith.cmpi sge, %sub3A_181, %ge3A_189 : i32
        %convert_element_type3A_191 = arith.extui %ge3A_190 : i1 to i32
        %cond3A_192 = arith.constant 0 : i32
        %cond3A_193 = arith.cmpi ne, %convert_element_type3A_191, %cond3A_192 : i32
        scf.if %cond3A_193 {
          %sub3A_194 = arith.constant 8 : i32
          %sub3A_195 = arith.subi %sub3A_181, %sub3A_194 : i32
          %mul3A_196 = arith.constant 256 : i32
          %mul3A_197 = arith.muli %sub3A_195, %mul3A_196 : i32
          %dma_start3A_198 = tpu.memref_slice %arg10[%mul3A_183] : memref<512xi32, #tpu.memory_space<vmem>> -> memref<128xi32, #tpu.memory_space<vmem>>
          %dma_start3A_199 = arith.constant 0 : i32
          %dma_start3A_200 = tpu.memref_slice %arg5[%dma_start3A_199, %mul3A_197] : memref<100000x768xf32, #tpu.memory_space<hbm>> -> memref<100000x256xf32, #tpu.memory_space<hbm>>
          tpu.enqueue_indirect_dma source(%dma_start3A_200 : memref<100000x256xf32, #tpu.memory_space<hbm>>) target(%arg12 : memref<128x256xf32, #tpu.memory_space<vmem>>) offsets(%dma_start3A_198 : memref<128xi32, #tpu.memory_space<vmem>>) semaphore(%arg16 : memref<!tpu.dma_semaphore, #tpu.memory_space<semaphore_mem>>)
        } else {
        }
      } else {
      }
      %lt3A_146 = arith.constant 44 : i32
      %lt3A_147 = arith.cmpi slt, %add3A_138, %lt3A_146 : i32
      %convert_element_type3A_148 = arith.extui %lt3A_147 : i1 to i32
      %cond3A_149 = arith.constant 0 : i32
      %cond3A_150 = arith.cmpi ne, %convert_element_type3A_148, %cond3A_149 : i32
      scf.if %cond3A_150 {
        %dma_wait3A_151 = arith.constant 0 : i32
        %dma_wait3A_152 = arith.constant 0 : i32
        %dma_wait3A_153 = tpu.memref_slice %arg4[%dma_wait3A_151, %dma_wait3A_152] : memref<100000x2048xf32, #tpu.memory_space<hbm>> -> memref<128x256xf32, #tpu.memory_space<hbm>>
        %dma_wait3A_154 = arith.constant 0 : i32
        %dma_wait3A_155 = arith.constant 0 : i32
        %dma_wait3A_156 = tpu.memref_slice %arg4[%dma_wait3A_154, %dma_wait3A_155] : memref<100000x2048xf32, #tpu.memory_space<hbm>> -> memref<128x256xf32, #tpu.memory_space<hbm>>
        tpu.wait_dma2 semaphore(%arg18 : memref<!tpu.dma_semaphore, #tpu.memory_space<semaphore_mem>>) src(%dma_wait3A_156 : memref<128x256xf32, #tpu.memory_space<hbm>>) dst(%arg14 : memref<128x256xf32, #tpu.memory_space<vmem>>)
        %jit3A_157 = arith.constant 11 : i32
        %div3A_158 = arith.divsi %add3A_138, %jit3A_157 : i32
        %sign3A_159 = arith.constant 0 : i32
        %sign3A_160 = arith.cmpi sgt, %add3A_138, %sign3A_159 : i32
        %sign3A_161 = arith.extui %sign3A_160 : i1 to i32
        %sign3A_162 = arith.constant 0 : i32
        %sign3A_163 = arith.cmpi slt, %add3A_138, %sign3A_162 : i32
        %sign3A_164 = arith.extui %sign3A_163 : i1 to i32
        %sign3A_165 = arith.subi %sign3A_161, %sign3A_164 : i32
        %sign3A_166 = arith.constant 0 : i32
        %sign3A_167 = arith.cmpi sgt, %jit3A_157, %sign3A_166 : i32
        %sign3A_168 = arith.extui %sign3A_167 : i1 to i32
        %sign3A_169 = arith.constant 0 : i32
        %sign3A_170 = arith.cmpi slt, %jit3A_157, %sign3A_169 : i32
        %sign3A_171 = arith.extui %sign3A_170 : i1 to i32
        %sign3A_172 = arith.subi %sign3A_168, %sign3A_171 : i32
        %ne3A_173 = arith.cmpi ne, %sign3A_165, %sign3A_172 : i32
        %rem3A_174 = arith.remsi %add3A_138, %jit3A_157 : i32
        %ne3A_175 = arith.constant 0 : i32
        %ne3A_176 = arith.cmpi ne, %rem3A_174, %ne3A_175 : i32
        %and3A_177 = arith.andi %ne3A_173, %ne3A_176 : i1
        %sub3A_178 = arith.constant 1 : i32
        %sub3A_179 = arith.subi %div3A_158, %sub3A_178 : i32
        %select_n3A_180 = arith.select %and3A_177, %sub3A_179, %div3A_158 : i32
        %mul3A_181 = arith.constant 11 : i32
        %mul3A_182 = arith.muli %select_n3A_180, %mul3A_181 : i32
        %sub3A_183 = arith.subi %add3A_138, %mul3A_182 : i32
        %mul3A_184 = arith.constant 128 : i32
        %mul3A_185 = arith.muli %select_n3A_180, %mul3A_184 : i32
        %add3A_186 = arith.addi %mul3A_2, %mul3A_185 : i32
        %lt3A_187 = arith.constant 8 : i32
        %lt3A_188 = arith.cmpi slt, %sub3A_183, %lt3A_187 : i32
        %convert_element_type3A_189 = arith.extui %lt3A_188 : i1 to i32
        %cond3A_190 = arith.constant 0 : i32
        %cond3A_191 = arith.cmpi ne, %convert_element_type3A_189, %cond3A_190 : i32
        scf.if %cond3A_191 {
          %mul3A_196 = arith.constant 16384 : i32
          %mul3A_197 = arith.muli %sub3A_183, %mul3A_196 : i32
          %add3A_198 = arith.addi %mul3A_197, %add3A_186 : i32
          %dma_start3A_199 = arith.constant 0 : i32
          %dma_start3A_200 = tpu.memref_slice %arg7[%add3A_198, %dma_start3A_199] : memref<131072x256xf32, #tpu.memory_space<hbm>> -> memref<128x256xf32, #tpu.memory_space<hbm>>
          %dma_start3A_201 = arith.constant 0 : i32
          %dma_start3A_202 = tpu.memref_slice %arg7[%add3A_198, %dma_start3A_201] : memref<131072x256xf32, #tpu.memory_space<hbm>> -> memref<128x256xf32, #tpu.memory_space<hbm>>
          tpu.enqueue_dma source(%arg14 : memref<128x256xf32, #tpu.memory_space<vmem>>) target(%dma_start3A_202 : memref<128x256xf32, #tpu.memory_space<hbm>>) target_semaphore(%arg21 : memref<!tpu.dma_semaphore, #tpu.memory_space<semaphore_mem>>)
        } else {
        }
        %ge3A = arith.constant 8 : i32
        %ge3A_192 = arith.cmpi sge, %sub3A_183, %ge3A : i32
        %convert_element_type3A_193 = arith.extui %ge3A_192 : i1 to i32
        %cond3A_194 = arith.constant 0 : i32
        %cond3A_195 = arith.cmpi ne, %convert_element_type3A_193, %cond3A_194 : i32
        scf.if %cond3A_195 {
          %sub3A_196 = arith.constant 8 : i32
          %sub3A_197 = arith.subi %sub3A_183, %sub3A_196 : i32
          %mul3A_198 = arith.constant 16384 : i32
          %mul3A_199 = arith.muli %sub3A_197, %mul3A_198 : i32
          %add3A_200 = arith.addi %mul3A_199, %add3A_186 : i32
          %dma_start3A_201 = arith.constant 0 : i32
          %dma_start3A_202 = tpu.memref_slice %arg8[%add3A_200, %dma_start3A_201] : memref<49152x256xf32, #tpu.memory_space<hbm>> -> memref<128x256xf32, #tpu.memory_space<hbm>>
          %dma_start3A_203 = arith.constant 0 : i32
          %dma_start3A_204 = tpu.memref_slice %arg8[%add3A_200, %dma_start3A_203] : memref<49152x256xf32, #tpu.memory_space<hbm>> -> memref<128x256xf32, #tpu.memory_space<hbm>>
          tpu.enqueue_dma source(%arg14 : memref<128x256xf32, #tpu.memory_space<vmem>>) target(%dma_start3A_204 : memref<128x256xf32, #tpu.memory_space<hbm>>) target_semaphore(%arg21 : memref<!tpu.dma_semaphore, #tpu.memory_space<semaphore_mem>>)
        } else {
        }
      } else {
      }
    }
    %scan3A_14 = arith.constant 15 : i32
    %dma_wait3A = arith.constant 0 : i32
    %dma_wait3A_15 = arith.constant 0 : i32
    %dma_wait3A_16 = tpu.memref_slice %arg7[%dma_wait3A, %dma_wait3A_15] : memref<131072x256xf32, #tpu.memory_space<hbm>> -> memref<128x256xf32, #tpu.memory_space<hbm>>
    %dma_wait3A_17 = arith.constant 0 : i32
    %dma_wait3A_18 = arith.constant 0 : i32
    %dma_wait3A_19 = tpu.memref_slice %arg7[%dma_wait3A_17, %dma_wait3A_18] : memref<131072x256xf32, #tpu.memory_space<hbm>> -> memref<128x256xf32, #tpu.memory_space<hbm>>
    tpu.wait_dma2 semaphore(%arg21 : memref<!tpu.dma_semaphore, #tpu.memory_space<semaphore_mem>>) src(%arg14 : memref<128x256xf32, #tpu.memory_space<vmem>>) dst(%dma_wait3A_19 : memref<128x256xf32, #tpu.memory_space<hbm>>)
    %dma_wait3A_20 = arith.constant 0 : i32
    %dma_wait3A_21 = arith.constant 0 : i32
    %dma_wait3A_22 = tpu.memref_slice %arg7[%dma_wait3A_20, %dma_wait3A_21] : memref<131072x256xf32, #tpu.memory_space<hbm>> -> memref<128x256xf32, #tpu.memory_space<hbm>>
    %dma_wait3A_23 = arith.constant 0 : i32
    %dma_wait3A_24 = arith.constant 0 : i32
    %dma_wait3A_25 = tpu.memref_slice %arg7[%dma_wait3A_23, %dma_wait3A_24] : memref<131072x256xf32, #tpu.memory_space<hbm>> -> memref<128x256xf32, #tpu.memory_space<hbm>>
    tpu.wait_dma2 semaphore(%arg19 : memref<!tpu.dma_semaphore, #tpu.memory_space<semaphore_mem>>) src(%arg12 : memref<128x256xf32, #tpu.memory_space<vmem>>) dst(%dma_wait3A_25 : memref<128x256xf32, #tpu.memory_space<hbm>>)
    %dma_wait3A_26 = arith.constant 0 : i32
    %dma_wait3A_27 = arith.constant 0 : i32
    %dma_wait3A_28 = tpu.memref_slice %arg7[%dma_wait3A_26, %dma_wait3A_27] : memref<131072x256xf32, #tpu.memory_space<hbm>> -> memref<128x256xf32, #tpu.memory_space<hbm>>
    %dma_wait3A_29 = arith.constant 0 : i32
    %dma_wait3A_30 = arith.constant 0 : i32
    %dma_wait3A_31 = tpu.memref_slice %arg7[%dma_wait3A_29, %dma_wait3A_30] : memref<131072x256xf32, #tpu.memory_space<hbm>> -> memref<128x256xf32, #tpu.memory_space<hbm>>
    tpu.wait_dma2 semaphore(%arg20 : memref<!tpu.dma_semaphore, #tpu.memory_space<semaphore_mem>>) src(%arg13 : memref<128x256xf32, #tpu.memory_space<vmem>>) dst(%dma_wait3A_31 : memref<128x256xf32, #tpu.memory_space<hbm>>)
    %dma_wait3A_32 = arith.constant 0 : i32
    %dma_wait3A_33 = arith.constant 0 : i32
    %dma_wait3A_34 = tpu.memref_slice %arg9[%dma_wait3A_32, %dma_wait3A_33] : memref<16384x128xf32, #tpu.memory_space<hbm>> -> memref<128x128xf32, #tpu.memory_space<hbm>>
    %dma_wait3A_35 = arith.constant 0 : i32
    %dma_wait3A_36 = arith.constant 0 : i32
    %dma_wait3A_37 = tpu.memref_slice %arg9[%dma_wait3A_35, %dma_wait3A_36] : memref<16384x128xf32, #tpu.memory_space<hbm>> -> memref<128x128xf32, #tpu.memory_space<hbm>>
    tpu.wait_dma2 semaphore(%arg23 : memref<!tpu.dma_semaphore, #tpu.memory_space<semaphore_mem>>) src(%arg15 : memref<128x128xf32, #tpu.memory_space<vmem>>) dst(%dma_wait3A_37 : memref<128x128xf32, #tpu.memory_space<hbm>>)
    return
  }
}

module attributes {stable_mosaic.version = 14 : i64} {
  func.func @_mlp_body(%arg0: i32, %arg1: memref<1024x256xf32, #tpu.memory_space<vmem>>, %arg2: memref<1024x256xf32, #tpu.memory_space<vmem>>, %arg3: memref<1024x256xf32, #tpu.memory_space<vmem>>, %arg4: memref<1024x256xf32, #tpu.memory_space<vmem>>, %arg5: memref<1024x256xf32, #tpu.memory_space<vmem>>, %arg6: memref<1024x256xf32, #tpu.memory_space<vmem>>, %arg7: memref<1024x256xf32, #tpu.memory_space<vmem>>, %arg8: memref<1024x256xf32, #tpu.memory_space<vmem>>, %arg9: memref<1024x256xf32, #tpu.memory_space<vmem>>, %arg10: memref<1024x256xf32, #tpu.memory_space<vmem>>, %arg11: memref<1024x256xf32, #tpu.memory_space<vmem>>, %arg12: memref<1024x128xf32, #tpu.memory_space<vmem>>, %arg13: memref<256x256xbf16, #tpu.memory_space<vmem>>, %arg14: memref<256x256xbf16, #tpu.memory_space<vmem>>, %arg15: memref<256x256xbf16, #tpu.memory_space<vmem>>, %arg16: memref<256x256xbf16, #tpu.memory_space<vmem>>, %arg17: memref<256x256xbf16, #tpu.memory_space<vmem>>, %arg18: memref<256x256xbf16, #tpu.memory_space<vmem>>, %arg19: memref<256x256xbf16, #tpu.memory_space<vmem>>, %arg20: memref<256x256xbf16, #tpu.memory_space<vmem>>, %arg21: memref<256x256xbf16, #tpu.memory_space<vmem>>, %arg22: memref<256x256xbf16, #tpu.memory_space<vmem>>, %arg23: memref<256x256xbf16, #tpu.memory_space<vmem>>, %arg24: memref<1x256xf32, #tpu.memory_space<vmem>>, %arg25: memref<256x32xbf16, #tpu.memory_space<vmem>>, %arg26: memref<1x32xf32, #tpu.memory_space<vmem>>, %arg27: memref<32x128xbf16, #tpu.memory_space<vmem>>, %arg28: memref<32x128xbf16, #tpu.memory_space<vmem>>, %arg29: memref<1x128xf32, #tpu.memory_space<vmem>>, %arg30: memref<128x32xbf16, #tpu.memory_space<vmem>>, %arg31: memref<1x32xf32, #tpu.memory_space<vmem>>, %arg32: memref<32x1xbf16, #tpu.memory_space<vmem>>, %arg33: memref<1x1xf32, #tpu.memory_space<vmem>>, %arg34: memref<1024x1xf32, #tpu.memory_space<vmem>>) attributes {dimension_semantics = [#tpu.dimension_semantics<arbitrary>], iteration_bounds = array<i64: 16>, scalar_prefetch = 0 : i64, scratch_operands = 0 : i64, tpu.core_type = #tpu.core_type<tc>, window_params = [{transform_indices = @transform_0, window_bounds = array<i64: 1024, 256>}, {transform_indices = @transform_1, window_bounds = array<i64: 1024, 256>}, {transform_indices = @transform_2, window_bounds = array<i64: 1024, 256>}, {transform_indices = @transform_3, window_bounds = array<i64: 1024, 256>}, {transform_indices = @transform_4, window_bounds = array<i64: 1024, 256>}, {transform_indices = @transform_5, window_bounds = array<i64: 1024, 256>}, {transform_indices = @transform_6, window_bounds = array<i64: 1024, 256>}, {transform_indices = @transform_7, window_bounds = array<i64: 1024, 256>}, {transform_indices = @transform_8, window_bounds = array<i64: 1024, 256>}, {transform_indices = @transform_9, window_bounds = array<i64: 1024, 256>}, {transform_indices = @transform_10, window_bounds = array<i64: 1024, 256>}, {transform_indices = @transform_11, window_bounds = array<i64: 1024, 128>}, {pipeline_mode = #tpu.pipeline_mode<synchronous>, transform_indices = @transform_12, window_bounds = array<i64: 256, 256>}, {pipeline_mode = #tpu.pipeline_mode<synchronous>, transform_indices = @transform_13, window_bounds = array<i64: 256, 256>}, {pipeline_mode = #tpu.pipeline_mode<synchronous>, transform_indices = @transform_14, window_bounds = array<i64: 256, 256>}, {pipeline_mode = #tpu.pipeline_mode<synchronous>, transform_indices = @transform_15, window_bounds = array<i64: 256, 256>}, {pipeline_mode = #tpu.pipeline_mode<synchronous>, transform_indices = @transform_16, window_bounds = array<i64: 256, 256>}, {pipeline_mode = #tpu.pipeline_mode<synchronous>, transform_indices = @transform_17, window_bounds = array<i64: 256, 256>}, {pipeline_mode = #tpu.pipeline_mode<synchronous>, transform_indices = @transform_18, window_bounds = array<i64: 256, 256>}, {pipeline_mode = #tpu.pipeline_mode<synchronous>, transform_indices = @transform_19, window_bounds = array<i64: 256, 256>}, {pipeline_mode = #tpu.pipeline_mode<synchronous>, transform_indices = @transform_20, window_bounds = array<i64: 256, 256>}, {pipeline_mode = #tpu.pipeline_mode<synchronous>, transform_indices = @transform_21, window_bounds = array<i64: 256, 256>}, {pipeline_mode = #tpu.pipeline_mode<synchronous>, transform_indices = @transform_22, window_bounds = array<i64: 256, 256>}, {pipeline_mode = #tpu.pipeline_mode<synchronous>, transform_indices = @transform_23, window_bounds = array<i64: 1, 256>}, {pipeline_mode = #tpu.pipeline_mode<synchronous>, transform_indices = @transform_24, window_bounds = array<i64: 256, 32>}, {pipeline_mode = #tpu.pipeline_mode<synchronous>, transform_indices = @transform_25, window_bounds = array<i64: 1, 32>}, {pipeline_mode = #tpu.pipeline_mode<synchronous>, transform_indices = @transform_26, window_bounds = array<i64: 32, 128>}, {pipeline_mode = #tpu.pipeline_mode<synchronous>, transform_indices = @transform_27, window_bounds = array<i64: 32, 128>}, {pipeline_mode = #tpu.pipeline_mode<synchronous>, transform_indices = @transform_28, window_bounds = array<i64: 1, 128>}, {pipeline_mode = #tpu.pipeline_mode<synchronous>, transform_indices = @transform_29, window_bounds = array<i64: 128, 32>}, {pipeline_mode = #tpu.pipeline_mode<synchronous>, transform_indices = @transform_30, window_bounds = array<i64: 1, 32>}, {pipeline_mode = #tpu.pipeline_mode<synchronous>, transform_indices = @transform_31, window_bounds = array<i64: 32, 1>}, {pipeline_mode = #tpu.pipeline_mode<synchronous>, transform_indices = @transform_32, window_bounds = array<i64: 1, 1>}, {transform_indices = @transform_33, window_bounds = array<i64: 1024, 1>}]} {
    %get3A = arith.constant 0 : index
    %get3A_0 = arith.constant 0 : index
    %get3A_1 = vector.load %arg1[%get3A, %get3A_0] : memref<1024x256xf32, #tpu.memory_space<vmem>>, vector<1024x256xf32>
    %convert_element_type3A = arith.truncf %get3A_1 : vector<1024x256xf32> to vector<1024x256xbf16>
    %get3A_2 = arith.constant 0 : index
    %get3A_3 = arith.constant 0 : index
    %get3A_4 = vector.load %arg13[%get3A_2, %get3A_3] : memref<256x256xbf16, #tpu.memory_space<vmem>>, vector<256x256xbf16>
    %dot_general3A = arith.constant dense<0.000000e+00> : vector<1024x256xf32>
    %dot_general3A_5 = tpu.matmul %convert_element_type3A, %get3A_4, %dot_general3A {dimension_numbers = #tpu.dot_dimension_numbers<[1], [0], [0], [1], [0, 0, 1, 1], [], []>, transpose_lhs_hint = false} : vector<1024x256xbf16>, vector<256x256xbf16>, vector<1024x256xf32> -> vector<1024x256xf32>
    %get3A_6 = arith.constant 0 : index
    %get3A_7 = arith.constant 0 : index
    %get3A_8 = vector.load %arg2[%get3A_6, %get3A_7] : memref<1024x256xf32, #tpu.memory_space<vmem>>, vector<1024x256xf32>
    %convert_element_type3A_9 = arith.truncf %get3A_8 : vector<1024x256xf32> to vector<1024x256xbf16>
    %get3A_10 = arith.constant 0 : index
    %get3A_11 = arith.constant 0 : index
    %get3A_12 = vector.load %arg14[%get3A_10, %get3A_11] : memref<256x256xbf16, #tpu.memory_space<vmem>>, vector<256x256xbf16>
    %dot_general3A_13 = arith.constant dense<0.000000e+00> : vector<1024x256xf32>
    %dot_general3A_14 = tpu.matmul %convert_element_type3A_9, %get3A_12, %dot_general3A_13 {dimension_numbers = #tpu.dot_dimension_numbers<[1], [0], [0], [1], [0, 0, 1, 1], [], []>, transpose_lhs_hint = false} : vector<1024x256xbf16>, vector<256x256xbf16>, vector<1024x256xf32> -> vector<1024x256xf32>
    %add3A = arith.addf %dot_general3A_5, %dot_general3A_14 : vector<1024x256xf32>
    %get3A_15 = arith.constant 0 : index
    %get3A_16 = arith.constant 0 : index
    %get3A_17 = vector.load %arg3[%get3A_15, %get3A_16] : memref<1024x256xf32, #tpu.memory_space<vmem>>, vector<1024x256xf32>
    %convert_element_type3A_18 = arith.truncf %get3A_17 : vector<1024x256xf32> to vector<1024x256xbf16>
    %get3A_19 = arith.constant 0 : index
    %get3A_20 = arith.constant 0 : index
    %get3A_21 = vector.load %arg15[%get3A_19, %get3A_20] : memref<256x256xbf16, #tpu.memory_space<vmem>>, vector<256x256xbf16>
    %dot_general3A_22 = arith.constant dense<0.000000e+00> : vector<1024x256xf32>
    %dot_general3A_23 = tpu.matmul %convert_element_type3A_18, %get3A_21, %dot_general3A_22 {dimension_numbers = #tpu.dot_dimension_numbers<[1], [0], [0], [1], [0, 0, 1, 1], [], []>, transpose_lhs_hint = false} : vector<1024x256xbf16>, vector<256x256xbf16>, vector<1024x256xf32> -> vector<1024x256xf32>
    %add3A_24 = arith.addf %add3A, %dot_general3A_23 : vector<1024x256xf32>
    %get3A_25 = arith.constant 0 : index
    %get3A_26 = arith.constant 0 : index
    %get3A_27 = vector.load %arg4[%get3A_25, %get3A_26] : memref<1024x256xf32, #tpu.memory_space<vmem>>, vector<1024x256xf32>
    %convert_element_type3A_28 = arith.truncf %get3A_27 : vector<1024x256xf32> to vector<1024x256xbf16>
    %get3A_29 = arith.constant 0 : index
    %get3A_30 = arith.constant 0 : index
    %get3A_31 = vector.load %arg16[%get3A_29, %get3A_30] : memref<256x256xbf16, #tpu.memory_space<vmem>>, vector<256x256xbf16>
    %dot_general3A_32 = arith.constant dense<0.000000e+00> : vector<1024x256xf32>
    %dot_general3A_33 = tpu.matmul %convert_element_type3A_28, %get3A_31, %dot_general3A_32 {dimension_numbers = #tpu.dot_dimension_numbers<[1], [0], [0], [1], [0, 0, 1, 1], [], []>, transpose_lhs_hint = false} : vector<1024x256xbf16>, vector<256x256xbf16>, vector<1024x256xf32> -> vector<1024x256xf32>
    %add3A_34 = arith.addf %add3A_24, %dot_general3A_33 : vector<1024x256xf32>
    %get3A_35 = arith.constant 0 : index
    %get3A_36 = arith.constant 0 : index
    %get3A_37 = vector.load %arg5[%get3A_35, %get3A_36] : memref<1024x256xf32, #tpu.memory_space<vmem>>, vector<1024x256xf32>
    %convert_element_type3A_38 = arith.truncf %get3A_37 : vector<1024x256xf32> to vector<1024x256xbf16>
    %get3A_39 = arith.constant 0 : index
    %get3A_40 = arith.constant 0 : index
    %get3A_41 = vector.load %arg17[%get3A_39, %get3A_40] : memref<256x256xbf16, #tpu.memory_space<vmem>>, vector<256x256xbf16>
    %dot_general3A_42 = arith.constant dense<0.000000e+00> : vector<1024x256xf32>
    %dot_general3A_43 = tpu.matmul %convert_element_type3A_38, %get3A_41, %dot_general3A_42 {dimension_numbers = #tpu.dot_dimension_numbers<[1], [0], [0], [1], [0, 0, 1, 1], [], []>, transpose_lhs_hint = false} : vector<1024x256xbf16>, vector<256x256xbf16>, vector<1024x256xf32> -> vector<1024x256xf32>
    %add3A_44 = arith.addf %add3A_34, %dot_general3A_43 : vector<1024x256xf32>
    %get3A_45 = arith.constant 0 : index
    %get3A_46 = arith.constant 0 : index
    %get3A_47 = vector.load %arg6[%get3A_45, %get3A_46] : memref<1024x256xf32, #tpu.memory_space<vmem>>, vector<1024x256xf32>
    %convert_element_type3A_48 = arith.truncf %get3A_47 : vector<1024x256xf32> to vector<1024x256xbf16>
    %get3A_49 = arith.constant 0 : index
    %get3A_50 = arith.constant 0 : index
    %get3A_51 = vector.load %arg18[%get3A_49, %get3A_50] : memref<256x256xbf16, #tpu.memory_space<vmem>>, vector<256x256xbf16>
    %dot_general3A_52 = arith.constant dense<0.000000e+00> : vector<1024x256xf32>
    %dot_general3A_53 = tpu.matmul %convert_element_type3A_48, %get3A_51, %dot_general3A_52 {dimension_numbers = #tpu.dot_dimension_numbers<[1], [0], [0], [1], [0, 0, 1, 1], [], []>, transpose_lhs_hint = false} : vector<1024x256xbf16>, vector<256x256xbf16>, vector<1024x256xf32> -> vector<1024x256xf32>
    %add3A_54 = arith.addf %add3A_44, %dot_general3A_53 : vector<1024x256xf32>
    %get3A_55 = arith.constant 0 : index
    %get3A_56 = arith.constant 0 : index
    %get3A_57 = vector.load %arg7[%get3A_55, %get3A_56] : memref<1024x256xf32, #tpu.memory_space<vmem>>, vector<1024x256xf32>
    %convert_element_type3A_58 = arith.truncf %get3A_57 : vector<1024x256xf32> to vector<1024x256xbf16>
    %get3A_59 = arith.constant 0 : index
    %get3A_60 = arith.constant 0 : index
    %get3A_61 = vector.load %arg19[%get3A_59, %get3A_60] : memref<256x256xbf16, #tpu.memory_space<vmem>>, vector<256x256xbf16>
    %dot_general3A_62 = arith.constant dense<0.000000e+00> : vector<1024x256xf32>
    %dot_general3A_63 = tpu.matmul %convert_element_type3A_58, %get3A_61, %dot_general3A_62 {dimension_numbers = #tpu.dot_dimension_numbers<[1], [0], [0], [1], [0, 0, 1, 1], [], []>, transpose_lhs_hint = false} : vector<1024x256xbf16>, vector<256x256xbf16>, vector<1024x256xf32> -> vector<1024x256xf32>
    %add3A_64 = arith.addf %add3A_54, %dot_general3A_63 : vector<1024x256xf32>
    %get3A_65 = arith.constant 0 : index
    %get3A_66 = arith.constant 0 : index
    %get3A_67 = vector.load %arg8[%get3A_65, %get3A_66] : memref<1024x256xf32, #tpu.memory_space<vmem>>, vector<1024x256xf32>
    %convert_element_type3A_68 = arith.truncf %get3A_67 : vector<1024x256xf32> to vector<1024x256xbf16>
    %get3A_69 = arith.constant 0 : index
    %get3A_70 = arith.constant 0 : index
    %get3A_71 = vector.load %arg20[%get3A_69, %get3A_70] : memref<256x256xbf16, #tpu.memory_space<vmem>>, vector<256x256xbf16>
    %dot_general3A_72 = arith.constant dense<0.000000e+00> : vector<1024x256xf32>
    %dot_general3A_73 = tpu.matmul %convert_element_type3A_68, %get3A_71, %dot_general3A_72 {dimension_numbers = #tpu.dot_dimension_numbers<[1], [0], [0], [1], [0, 0, 1, 1], [], []>, transpose_lhs_hint = false} : vector<1024x256xbf16>, vector<256x256xbf16>, vector<1024x256xf32> -> vector<1024x256xf32>
    %add3A_74 = arith.addf %add3A_64, %dot_general3A_73 : vector<1024x256xf32>
    %get3A_75 = arith.constant 0 : index
    %get3A_76 = arith.constant 0 : index
    %get3A_77 = vector.load %arg9[%get3A_75, %get3A_76] : memref<1024x256xf32, #tpu.memory_space<vmem>>, vector<1024x256xf32>
    %convert_element_type3A_78 = arith.truncf %get3A_77 : vector<1024x256xf32> to vector<1024x256xbf16>
    %get3A_79 = arith.constant 0 : index
    %get3A_80 = arith.constant 0 : index
    %get3A_81 = vector.load %arg21[%get3A_79, %get3A_80] : memref<256x256xbf16, #tpu.memory_space<vmem>>, vector<256x256xbf16>
    %dot_general3A_82 = arith.constant dense<0.000000e+00> : vector<1024x256xf32>
    %dot_general3A_83 = tpu.matmul %convert_element_type3A_78, %get3A_81, %dot_general3A_82 {dimension_numbers = #tpu.dot_dimension_numbers<[1], [0], [0], [1], [0, 0, 1, 1], [], []>, transpose_lhs_hint = false} : vector<1024x256xbf16>, vector<256x256xbf16>, vector<1024x256xf32> -> vector<1024x256xf32>
    %add3A_84 = arith.addf %add3A_74, %dot_general3A_83 : vector<1024x256xf32>
    %get3A_85 = arith.constant 0 : index
    %get3A_86 = arith.constant 0 : index
    %get3A_87 = vector.load %arg10[%get3A_85, %get3A_86] : memref<1024x256xf32, #tpu.memory_space<vmem>>, vector<1024x256xf32>
    %convert_element_type3A_88 = arith.truncf %get3A_87 : vector<1024x256xf32> to vector<1024x256xbf16>
    %get3A_89 = arith.constant 0 : index
    %get3A_90 = arith.constant 0 : index
    %get3A_91 = vector.load %arg22[%get3A_89, %get3A_90] : memref<256x256xbf16, #tpu.memory_space<vmem>>, vector<256x256xbf16>
    %dot_general3A_92 = arith.constant dense<0.000000e+00> : vector<1024x256xf32>
    %dot_general3A_93 = tpu.matmul %convert_element_type3A_88, %get3A_91, %dot_general3A_92 {dimension_numbers = #tpu.dot_dimension_numbers<[1], [0], [0], [1], [0, 0, 1, 1], [], []>, transpose_lhs_hint = false} : vector<1024x256xbf16>, vector<256x256xbf16>, vector<1024x256xf32> -> vector<1024x256xf32>
    %add3A_94 = arith.addf %add3A_84, %dot_general3A_93 : vector<1024x256xf32>
    %get3A_95 = arith.constant 0 : index
    %get3A_96 = arith.constant 0 : index
    %get3A_97 = vector.load %arg11[%get3A_95, %get3A_96] : memref<1024x256xf32, #tpu.memory_space<vmem>>, vector<1024x256xf32>
    %convert_element_type3A_98 = arith.truncf %get3A_97 : vector<1024x256xf32> to vector<1024x256xbf16>
    %get3A_99 = arith.constant 0 : index
    %get3A_100 = arith.constant 0 : index
    %get3A_101 = vector.load %arg23[%get3A_99, %get3A_100] : memref<256x256xbf16, #tpu.memory_space<vmem>>, vector<256x256xbf16>
    %dot_general3A_102 = arith.constant dense<0.000000e+00> : vector<1024x256xf32>
    %dot_general3A_103 = tpu.matmul %convert_element_type3A_98, %get3A_101, %dot_general3A_102 {dimension_numbers = #tpu.dot_dimension_numbers<[1], [0], [0], [1], [0, 0, 1, 1], [], []>, transpose_lhs_hint = false} : vector<1024x256xbf16>, vector<256x256xbf16>, vector<1024x256xf32> -> vector<1024x256xf32>
    %add3A_104 = arith.addf %add3A_94, %dot_general3A_103 : vector<1024x256xf32>
    %get3A_105 = arith.constant 0 : index
    %get3A_106 = arith.constant 0 : index
    %get3A_107 = vector.load %arg24[%get3A_105, %get3A_106] : memref<1x256xf32, #tpu.memory_space<vmem>>, vector<1x256xf32>
    %add3A_108 = vector.broadcast %get3A_107 : vector<1x256xf32> to vector<1024x256xf32>
    %add3A_109 = arith.addf %add3A_104, %add3A_108 : vector<1024x256xf32>
    %max3A = arith.constant 0.000000e+00 : f32
    %max3A_110 = vector.broadcast %max3A : f32 to vector<1024x256xf32>
    %max3A_111 = arith.maximumf %add3A_109, %max3A_110 : vector<1024x256xf32>
    %convert_element_type3A_112 = arith.truncf %max3A_111 : vector<1024x256xf32> to vector<1024x256xbf16>
    %get3A_113 = arith.constant 0 : index
    %get3A_114 = arith.constant 0 : index
    %get3A_115 = vector.load %arg25[%get3A_113, %get3A_114] : memref<256x32xbf16, #tpu.memory_space<vmem>>, vector<256x32xbf16>
    %dot_general3A_116 = arith.constant dense<0.000000e+00> : vector<1024x32xf32>
    %dot_general3A_117 = tpu.matmul %convert_element_type3A_112, %get3A_115, %dot_general3A_116 {dimension_numbers = #tpu.dot_dimension_numbers<[1], [0], [0], [1], [0, 0, 1, 1], [], []>, transpose_lhs_hint = false} : vector<1024x256xbf16>, vector<256x32xbf16>, vector<1024x32xf32> -> vector<1024x32xf32>
    %get3A_118 = arith.constant 0 : index
    %get3A_119 = arith.constant 0 : index
    %get3A_120 = vector.load %arg26[%get3A_118, %get3A_119] : memref<1x32xf32, #tpu.memory_space<vmem>>, vector<1x32xf32>
    %add3A_121 = vector.broadcast %get3A_120 : vector<1x32xf32> to vector<1024x32xf32>
    %add3A_122 = arith.addf %dot_general3A_117, %add3A_121 : vector<1024x32xf32>
    %max3A_123 = arith.constant 0.000000e+00 : f32
    %max3A_124 = vector.broadcast %max3A_123 : f32 to vector<1024x32xf32>
    %max3A_125 = arith.maximumf %add3A_122, %max3A_124 : vector<1024x32xf32>
    %get3A_126 = arith.constant 0 : index
    %get3A_127 = arith.constant 0 : index
    %get3A_128 = vector.load %arg12[%get3A_126, %get3A_127] : memref<1024x128xf32, #tpu.memory_space<vmem>>, vector<1024x32xf32>
    %convert_element_type3A_129 = arith.truncf %get3A_128 : vector<1024x32xf32> to vector<1024x32xbf16>
    %get3A_130 = arith.constant 0 : index
    %get3A_131 = arith.constant 0 : index
    %get3A_132 = vector.load %arg27[%get3A_130, %get3A_131] : memref<32x128xbf16, #tpu.memory_space<vmem>>, vector<32x128xbf16>
    %dot_general3A_133 = arith.constant dense<0.000000e+00> : vector<1024x128xf32>
    %dot_general3A_134 = tpu.matmul %convert_element_type3A_129, %get3A_132, %dot_general3A_133 {dimension_numbers = #tpu.dot_dimension_numbers<[1], [0], [0], [1], [0, 0, 1, 1], [], []>, transpose_lhs_hint = false} : vector<1024x32xbf16>, vector<32x128xbf16>, vector<1024x128xf32> -> vector<1024x128xf32>
    %convert_element_type3A_135 = arith.truncf %max3A_125 : vector<1024x32xf32> to vector<1024x32xbf16>
    %get3A_136 = arith.constant 0 : index
    %get3A_137 = arith.constant 0 : index
    %get3A_138 = vector.load %arg28[%get3A_136, %get3A_137] : memref<32x128xbf16, #tpu.memory_space<vmem>>, vector<32x128xbf16>
    %dot_general3A_139 = arith.constant dense<0.000000e+00> : vector<1024x128xf32>
    %dot_general3A_140 = tpu.matmul %convert_element_type3A_135, %get3A_138, %dot_general3A_139 {dimension_numbers = #tpu.dot_dimension_numbers<[1], [0], [0], [1], [0, 0, 1, 1], [], []>, transpose_lhs_hint = false} : vector<1024x32xbf16>, vector<32x128xbf16>, vector<1024x128xf32> -> vector<1024x128xf32>
    %add3A_141 = arith.addf %dot_general3A_134, %dot_general3A_140 : vector<1024x128xf32>
    %get3A_142 = arith.constant 0 : index
    %get3A_143 = arith.constant 0 : index
    %get3A_144 = vector.load %arg29[%get3A_142, %get3A_143] : memref<1x128xf32, #tpu.memory_space<vmem>>, vector<1x128xf32>
    %add3A_145 = vector.broadcast %get3A_144 : vector<1x128xf32> to vector<1024x128xf32>
    %add3A_146 = arith.addf %add3A_141, %add3A_145 : vector<1024x128xf32>
    %max3A_147 = arith.constant 0.000000e+00 : f32
    %max3A_148 = vector.broadcast %max3A_147 : f32 to vector<1024x128xf32>
    %max3A_149 = arith.maximumf %add3A_146, %max3A_148 : vector<1024x128xf32>
    %convert_element_type3A_150 = arith.truncf %max3A_149 : vector<1024x128xf32> to vector<1024x128xbf16>
    %get3A_151 = arith.constant 0 : index
    %get3A_152 = arith.constant 0 : index
    %get3A_153 = vector.load %arg30[%get3A_151, %get3A_152] : memref<128x32xbf16, #tpu.memory_space<vmem>>, vector<128x32xbf16>
    %dot_general3A_154 = arith.constant dense<0.000000e+00> : vector<1024x32xf32>
    %dot_general3A_155 = tpu.matmul %convert_element_type3A_150, %get3A_153, %dot_general3A_154 {dimension_numbers = #tpu.dot_dimension_numbers<[1], [0], [0], [1], [0, 0, 1, 1], [], []>, transpose_lhs_hint = false} : vector<1024x128xbf16>, vector<128x32xbf16>, vector<1024x32xf32> -> vector<1024x32xf32>
    %get3A_156 = arith.constant 0 : index
    %get3A_157 = arith.constant 0 : index
    %get3A_158 = vector.load %arg31[%get3A_156, %get3A_157] : memref<1x32xf32, #tpu.memory_space<vmem>>, vector<1x32xf32>
    %add3A_159 = vector.broadcast %get3A_158 : vector<1x32xf32> to vector<1024x32xf32>
    %add3A_160 = arith.addf %dot_general3A_155, %add3A_159 : vector<1024x32xf32>
    %max3A_161 = arith.constant 0.000000e+00 : f32
    %max3A_162 = vector.broadcast %max3A_161 : f32 to vector<1024x32xf32>
    %max3A_163 = arith.maximumf %add3A_160, %max3A_162 : vector<1024x32xf32>
    %convert_element_type3A_164 = arith.truncf %max3A_163 : vector<1024x32xf32> to vector<1024x32xbf16>
    %get3A_165 = arith.constant 0 : index
    %get3A_166 = arith.constant 0 : index
    %get3A_167 = vector.load %arg32[%get3A_165, %get3A_166] : memref<32x1xbf16, #tpu.memory_space<vmem>>, vector<32x1xbf16>
    %dot_general3A_168 = arith.constant dense<0.000000e+00> : vector<1024x1xf32>
    %dot_general3A_169 = tpu.matmul %convert_element_type3A_164, %get3A_167, %dot_general3A_168 {dimension_numbers = #tpu.dot_dimension_numbers<[1], [0], [0], [1], [0, 0, 1, 1], [], []>, transpose_lhs_hint = false} : vector<1024x32xbf16>, vector<32x1xbf16>, vector<1024x1xf32> -> vector<1024x1xf32>
    %get3A_170 = arith.constant 0 : index
    %get3A_171 = arith.constant 0 : index
    %get3A_172 = vector.load %arg33[%get3A_170, %get3A_171] : memref<1x1xf32, #tpu.memory_space<vmem>>, vector<1x1xf32>
    %add3A_173 = vector.broadcast %get3A_172 : vector<1x1xf32> to vector<1024x1xf32>
    %add3A_174 = arith.addf %dot_general3A_169, %add3A_173 : vector<1024x1xf32>
    %logistic3A = arith.negf %add3A_174 : vector<1024x1xf32>
    %logistic3A_175 = math.exp %logistic3A : vector<1024x1xf32>
    %logistic3A_176 = arith.constant 1.000000e+00 : f32
    %logistic3A_177 = vector.broadcast %logistic3A_176 : f32 to vector<1024x1xf32>
    %logistic3A_178 = arith.addf %logistic3A_177, %logistic3A_175 : vector<1024x1xf32>
    %logistic3A_179 = arith.divf %logistic3A_177, %logistic3A_178 : vector<1024x1xf32>
    %swap3A = arith.constant 0 : index
    %swap3A_180 = arith.constant 0 : index
    %swap3A_181 = vector.load %arg34[%swap3A, %swap3A_180] : memref<1024x1xf32, #tpu.memory_space<vmem>>, vector<1024x1xf32>
    tpu.vector_store %arg34[%swap3A, %swap3A_180], %logistic3A_179 {strides = array<i32>} : memref<1024x1xf32, #tpu.memory_space<vmem>>, vector<1024x1xf32>,
    return
  }
  func.func @transform_0(%arg0: i32) -> (i32, i32) {
    %add3A = arith.constant 0 : i32
    %add3A_0 = arith.addi %add3A, %arg0 : i32
    %c0_i32 = arith.constant 0 : i32
    %c0_i32_1 = arith.constant 0 : i32
    return %add3A_0, %c0_i32 : i32, i32
  }
  func.func @transform_1(%arg0: i32) -> (i32, i32) {
    %add3A = arith.constant 16 : i32
    %add3A_0 = arith.addi %add3A, %arg0 : i32
    %c0_i32 = arith.constant 0 : i32
    %c0_i32_1 = arith.constant 0 : i32
    return %add3A_0, %c0_i32 : i32, i32
  }
  func.func @transform_2(%arg0: i32) -> (i32, i32) {
    %add3A = arith.constant 32 : i32
    %add3A_0 = arith.addi %add3A, %arg0 : i32
    %c0_i32 = arith.constant 0 : i32
    %c0_i32_1 = arith.constant 0 : i32
    return %add3A_0, %c0_i32 : i32, i32
  }
  func.func @transform_3(%arg0: i32) -> (i32, i32) {
    %add3A = arith.constant 48 : i32
    %add3A_0 = arith.addi %add3A, %arg0 : i32
    %c0_i32 = arith.constant 0 : i32
    %c0_i32_1 = arith.constant 0 : i32
    return %add3A_0, %c0_i32 : i32, i32
  }
  func.func @transform_4(%arg0: i32) -> (i32, i32) {
    %add3A = arith.constant 64 : i32
    %add3A_0 = arith.addi %add3A, %arg0 : i32
    %c0_i32 = arith.constant 0 : i32
    %c0_i32_1 = arith.constant 0 : i32
    return %add3A_0, %c0_i32 : i32, i32
  }
  func.func @transform_5(%arg0: i32) -> (i32, i32) {
    %add3A = arith.constant 80 : i32
    %add3A_0 = arith.addi %add3A, %arg0 : i32
    %c0_i32 = arith.constant 0 : i32
    %c0_i32_1 = arith.constant 0 : i32
    return %add3A_0, %c0_i32 : i32, i32
  }
  func.func @transform_6(%arg0: i32) -> (i32, i32) {
    %add3A = arith.constant 96 : i32
    %add3A_0 = arith.addi %add3A, %arg0 : i32
    %c0_i32 = arith.constant 0 : i32
    %c0_i32_1 = arith.constant 0 : i32
    return %add3A_0, %c0_i32 : i32, i32
  }
  func.func @transform_7(%arg0: i32) -> (i32, i32) {
    %add3A = arith.constant 112 : i32
    %add3A_0 = arith.addi %add3A, %arg0 : i32
    %c0_i32 = arith.constant 0 : i32
    %c0_i32_1 = arith.constant 0 : i32
    return %add3A_0, %c0_i32 : i32, i32
  }
  func.func @transform_8(%arg0: i32) -> (i32, i32) {
    %add3A = arith.constant 0 : i32
    %add3A_0 = arith.addi %add3A, %arg0 : i32
    %c0_i32 = arith.constant 0 : i32
    %c0_i32_1 = arith.constant 0 : i32
    return %add3A_0, %c0_i32 : i32, i32
  }
  func.func @transform_9(%arg0: i32) -> (i32, i32) {
    %add3A = arith.constant 16 : i32
    %add3A_0 = arith.addi %add3A, %arg0 : i32
    %c0_i32 = arith.constant 0 : i32
    %c0_i32_1 = arith.constant 0 : i32
    return %add3A_0, %c0_i32 : i32, i32
  }
  func.func @transform_10(%arg0: i32) -> (i32, i32) {
    %add3A = arith.constant 32 : i32
    %add3A_0 = arith.addi %add3A, %arg0 : i32
    %c0_i32 = arith.constant 0 : i32
    %c0_i32_1 = arith.constant 0 : i32
    return %add3A_0, %c0_i32 : i32, i32
  }
  func.func @transform_11(%arg0: i32) -> (i32, i32) {
    %add3A = arith.constant 0 : i32
    %add3A_0 = arith.addi %add3A, %arg0 : i32
    %c0_i32 = arith.constant 0 : i32
    %c0_i32_1 = arith.constant 0 : i32
    return %add3A_0, %c0_i32 : i32, i32
  }
  func.func @transform_12(%arg0: i32) -> (i32, i32) {
    %c0_i32 = arith.constant 0 : i32
    %c0_i32_0 = arith.constant 0 : i32
    %c0_i32_1 = arith.constant 0 : i32
    return %c0_i32, %c0_i32_0 : i32, i32
  }
  func.func @transform_13(%arg0: i32) -> (i32, i32) {
    %c0_i32 = arith.constant 0 : i32
    %c0_i32_0 = arith.constant 0 : i32
    %c0_i32_1 = arith.constant 0 : i32
    return %c0_i32, %c0_i32_0 : i32, i32
  }
  func.func @transform_14(%arg0: i32) -> (i32, i32) {
    %c0_i32 = arith.constant 0 : i32
    %c0_i32_0 = arith.constant 0 : i32
    %c0_i32_1 = arith.constant 0 : i32
    return %c0_i32, %c0_i32_0 : i32, i32
  }
  func.func @transform_15(%arg0: i32) -> (i32, i32) {
    %c0_i32 = arith.constant 0 : i32
    %c0_i32_0 = arith.constant 0 : i32
    %c0_i32_1 = arith.constant 0 : i32
    return %c0_i32, %c0_i32_0 : i32, i32
  }
  func.func @transform_16(%arg0: i32) -> (i32, i32) {
    %c0_i32 = arith.constant 0 : i32
    %c0_i32_0 = arith.constant 0 : i32
    %c0_i32_1 = arith.constant 0 : i32
    return %c0_i32, %c0_i32_0 : i32, i32
  }
  func.func @transform_17(%arg0: i32) -> (i32, i32) {
    %c0_i32 = arith.constant 0 : i32
    %c0_i32_0 = arith.constant 0 : i32
    %c0_i32_1 = arith.constant 0 : i32
    return %c0_i32, %c0_i32_0 : i32, i32
  }
  func.func @transform_18(%arg0: i32) -> (i32, i32) {
    %c0_i32 = arith.constant 0 : i32
    %c0_i32_0 = arith.constant 0 : i32
    %c0_i32_1 = arith.constant 0 : i32
    return %c0_i32, %c0_i32_0 : i32, i32
  }
  func.func @transform_19(%arg0: i32) -> (i32, i32) {
    %c0_i32 = arith.constant 0 : i32
    %c0_i32_0 = arith.constant 0 : i32
    %c0_i32_1 = arith.constant 0 : i32
    return %c0_i32, %c0_i32_0 : i32, i32
  }
  func.func @transform_20(%arg0: i32) -> (i32, i32) {
    %c0_i32 = arith.constant 0 : i32
    %c0_i32_0 = arith.constant 0 : i32
    %c0_i32_1 = arith.constant 0 : i32
    return %c0_i32, %c0_i32_0 : i32, i32
  }
  func.func @transform_21(%arg0: i32) -> (i32, i32) {
    %c0_i32 = arith.constant 0 : i32
    %c0_i32_0 = arith.constant 0 : i32
    %c0_i32_1 = arith.constant 0 : i32
    return %c0_i32, %c0_i32_0 : i32, i32
  }
  func.func @transform_22(%arg0: i32) -> (i32, i32) {
    %c0_i32 = arith.constant 0 : i32
    %c0_i32_0 = arith.constant 0 : i32
    %c0_i32_1 = arith.constant 0 : i32
    return %c0_i32, %c0_i32_0 : i32, i32
  }
  func.func @transform_23(%arg0: i32) -> (i32, i32) {
    %c0_i32 = arith.constant 0 : i32
    %c0_i32_0 = arith.constant 0 : i32
    %c0_i32_1 = arith.constant 0 : i32
    return %c0_i32, %c0_i32_0 : i32, i32
  }
  func.func @transform_24(%arg0: i32) -> (i32, i32) {
    %c0_i32 = arith.constant 0 : i32
    %c0_i32_0 = arith.constant 0 : i32
    %c0_i32_1 = arith.constant 0 : i32
    return %c0_i32, %c0_i32_0 : i32, i32
  }
  func.func @transform_25(%arg0: i32) -> (i32, i32) {
    %c0_i32 = arith.constant 0 : i32
    %c0_i32_0 = arith.constant 0 : i32
    %c0_i32_1 = arith.constant 0 : i32
    return %c0_i32, %c0_i32_0 : i32, i32
  }
  func.func @transform_26(%arg0: i32) -> (i32, i32) {
    %c0_i32 = arith.constant 0 : i32
    %c0_i32_0 = arith.constant 0 : i32
    %c0_i32_1 = arith.constant 0 : i32
    return %c0_i32, %c0_i32_0 : i32, i32
  }
  func.func @transform_27(%arg0: i32) -> (i32, i32) {
    %c0_i32 = arith.constant 0 : i32
    %c0_i32_0 = arith.constant 0 : i32
    %c0_i32_1 = arith.constant 0 : i32
    return %c0_i32, %c0_i32_0 : i32, i32
  }
  func.func @transform_28(%arg0: i32) -> (i32, i32) {
    %c0_i32 = arith.constant 0 : i32
    %c0_i32_0 = arith.constant 0 : i32
    %c0_i32_1 = arith.constant 0 : i32
    return %c0_i32, %c0_i32_0 : i32, i32
  }
  func.func @transform_29(%arg0: i32) -> (i32, i32) {
    %c0_i32 = arith.constant 0 : i32
    %c0_i32_0 = arith.constant 0 : i32
    %c0_i32_1 = arith.constant 0 : i32
    return %c0_i32, %c0_i32_0 : i32, i32
  }
  func.func @transform_30(%arg0: i32) -> (i32, i32) {
    %c0_i32 = arith.constant 0 : i32
    %c0_i32_0 = arith.constant 0 : i32
    %c0_i32_1 = arith.constant 0 : i32
    return %c0_i32, %c0_i32_0 : i32, i32
  }
  func.func @transform_31(%arg0: i32) -> (i32, i32) {
    %c0_i32 = arith.constant 0 : i32
    %c0_i32_0 = arith.constant 0 : i32
    %c0_i32_1 = arith.constant 0 : i32
    return %c0_i32, %c0_i32_0 : i32, i32
  }
  func.func @transform_32(%arg0: i32) -> (i32, i32) {
    %c0_i32 = arith.constant 0 : i32
    %c0_i32_0 = arith.constant 0 : i32
    %c0_i32_1 = arith.constant 0 : i32
    return %c0_i32, %c0_i32_0 : i32, i32
  }
  func.func @transform_33(%arg0: i32) -> (i32, i32) {
    %c0_i32 = arith.constant 0 : i32
    %c0_i32_0 = arith.constant 0 : i32
    return %arg0, %c0_i32 : i32, i32
  }
}

</mosaic_0001>

<sc_bundles>
// kernel: kernel.4.cloned.1.call-start
scs
__scs_entry_jumppad:
0x0: {  	(pc) =	sbr.rel $0x88, $3  }
0x1: {  	(tag) =	ssettag $0x0;
	lr =	simm.s32 $0x1  }
0x2: {  	[smem:$0x3F91] =	sst lr;
	_ =	strace $0xD0000000  }
0x3: {  	_ = 	snop  }
0x4: {  	_ = 	snop  }
0x5: {  	_ = 	snop  }
0x6: {  	_ = 	snop  }
0x7: {  	_ = 	snop  }
__scs_overlays_trampoline_lowered:
0x8: {  	[smem:$0x3FA0] =	sst s0  }
0x9: {  	[smem:$0x3FA1] =	sst s1  }
0xa: {  	[smem:$0x3FA2] =	sst s2  }
0xb: {  	[smem:$0x3FA3] =	sst s3  }
0xc: {  	[smem:$0x3FA4] =	sst s4  }
0xd: {  	[smem:$0x3FA5] =	sst s5  }
0xe: {  	[smem:$0x3FA6] =	sst s6  }
0xf: {  	[smem:$0x3FA7] =	sst s7  }
0x10: {  	[smem:$0x3FA8] =	sst s8  }
0x11: {  	[smem:$0x3FA9] =	sst s9;
	s0 =	simm.s32 @!p0 $0x0  }
0x12: {  	s1 =	sld [smem:$0x3F8F];
	s0 =	simm.s32 @p0 $0x1  }
0x13: {  	[smem:$0x3FAA] =	sst s0;
	s0 =	simm.s32 @!p1 $0x0  }
0x14: {  	s2 =	sld [smem:$0x3F8E];
	s0 =	simm.s32 @p1 $0x1  }
0x15: {  	[smem:$0x3FAB] =	sst s0;
	s0 =	simm.s32 @!p2 $0x0  }
0x16: {  	s3 =	sld [smem:$0x3FDB];
	s0 =	simm.s32 @p2 $0x1  }
0x17: {  	s4 =	simm.s32 $0x1BF5;
	[smem:$0x3FAD] =	sst s0  }
0x18: {  	s0 =	sld [smem:$0x3F90];
	_ =	swait.ge [sflag:s4], $0x0  }
0x19: {  	s7 =	sld [smem:$0x3F91]  }
0x1a: {  	s8 =	sadd.s32 $0xFFFFE003, lr  }
0x1b: {  	s9 =	sadd.s32 $0xFFFFFEF7, lr;
	s5 =	simm.s32 $0xFFFFFFFF;
	p2 =	slt.u32 s8, $0xFFFFF086  }
0x1c: {  	p1 =	slt.u32 s9, $0xF7A;
	s5 =	simm.s32 @!p2 $0x0  }
0x1d: {  	s5 =	simm.s32 @p1 $0x1;
	p0 =	seq.s32 s7, s2  }
0x1e: {  	s7 =	smul.u32 @!p0 $0xF7A, s2;
	p2 =	seq.s32 @!p0 s5, $0x0  }
0x1f: {  	s9 =	smul.u32 $0xF7A, s1;
	s8 =	simm.s32 @!p0 $0x1BF5;
	p2 =	por !p2, p0  }
0x20: {  	[sflag:s8] =	ssyncset.s32 @!p0 $0xFFFFF086;
	s6 =	sadd.s32 @!p0 s3, s7;
	s7 =	simm.s32 @!p0 $0x108  }
0x21: {  	s3 =	sadd.s32 s3, s9;
	s6 =	sadd.s32 @!p0 $0x88, s6;
	s7 =	simm.s32 @p2 $0x1082  }
0x22: {  	[simem:s7], [sflag:s8] =	dma.local @!p0 [hbm:s6], $0xF7A  }
0x23: {  	s9 =	sor.u32 $0xD0000000, s2;
	s6 =	simm.s32 $0x108;
	_ =	swait.ge @!p0 [sflag:s8], $0x0  }
0x24: {  	s3 =	sadd.s32 $0x88, s3;
	s6 =	simm.s32 @!p1 $0x1082;
	[sflag:s4] =	ssyncset.s32 $0xFFFFF086  }
0x25: {  	[simem:s6], [sflag:s4] =	dma.local [hbm:s3], $0xF7A  }
0x26: {  	[smem:$0x3F91] =	sst s1;
	(tag) =	ssettag s2;
	_ =	strace s9  }
0x27: {  	s1 =	sld [smem:$0x3FA1]  }
0x28: {  	s2 =	sld [smem:$0x3FA2]  }
0x29: {  	s4 =	sld [smem:$0x3FA4]  }
0x2a: {  	p0 =	seq.s32 s5, $0x0;
	s5 =	sld [smem:$0x3FA5]  }
0x2b: {  	s6 =	sld [smem:$0x3FA6]  }
0x2c: {  	s7 =	sld [smem:$0x3FA7]  }
0x2d: {  	s3 =	simm.s32 $0x108;
	s8 =	sld [smem:$0x3FA8]  }
0x2e: {  	s3 =	simm.s32 @!p0 $0x1082;
	s9 =	sld [smem:$0x3FA9]  }
0x2f: {  	lr =	sadd.s32 s0, s3;
	s0 =	sld [smem:$0x3FA0]  }
0x30: {  	s3 =	sld [smem:$0x3FA3]  }
0x31: {  	[smem:$0x3FAC] =	sst s10  }
0x32: {  	s10 =	sld [smem:$0x3FAA];
	_ =	sdelay $0x3  }
0x33: {  	p0 =	seq.s32 s10, $0x1;
	s10 =	sld [smem:$0x3FAC];
	_ =	sdelay $0x3  }
0x34: {  	[smem:$0x3FAC] =	sst s10  }
0x35: {  	s10 =	sld [smem:$0x3FAB];
	_ =	sdelay $0x3  }
0x36: {  	p1 =	seq.s32 s10, $0x1;
	s10 =	sld [smem:$0x3FAC];
	_ =	sdelay $0x3  }
0x37: {  	[smem:$0x3FAC] =	sst s10  }
0x38: {  	s10 =	sld [smem:$0x3FAD]  }
0x39: {  	_ = 	snop;
	(pc) =	sbr.ind lr, $3  }
0x3a: {  	_ = 	snop  }
0x3b: {  	_ = 	snop  }
0x3c: {  	p2 =	seq.s32 s10, $0x1;
	s10 =	sld [smem:$0x3FAC]  }
0x3d: {  	_ =	shalt  }
0x3e: {  	_ =	shalt  }
0x3f: {  	_ =	shalt  }
0x40: {  	_ =	shalt  }
0x41: {  	_ =	shalt  }
0x42: {  	_ =	shalt  }
0x43: {  	_ =	shalt  }
0x44: {  	_ =	shalt  }
0x45: {  	_ =	shalt  }
0x46: {  	_ =	shalt  }
0x47: {  	_ =	shalt  }
0x48: {  	_ =	shalt  }
0x49: {  	_ =	shalt  }
0x4a: {  	_ =	shalt  }
0x4b: {  	_ =	shalt  }
0x4c: {  	_ =	shalt  }
0x4d: {  	_ =	shalt  }
0x4e: {  	_ =	shalt  }
0x4f: {  	_ =	shalt  }
0x50: {  	_ =	shalt  }
0x51: {  	_ =	shalt  }
0x52: {  	_ =	shalt  }
0x53: {  	_ =	shalt  }
0x54: {  	_ =	shalt  }
0x55: {  	_ =	shalt  }
0x56: {  	_ =	shalt  }
0x57: {  	_ =	shalt  }
0x58: {  	_ =	shalt  }
0x59: {  	_ =	shalt  }
0x5a: {  	_ =	shalt  }
0x5b: {  	_ =	shalt  }
0x5c: {  	_ =	shalt  }
0x5d: {  	_ =	shalt  }
0x5e: {  	_ =	shalt  }
0x5f: {  	_ =	shalt  }
0x60: {  	_ =	shalt  }
0x61: {  	_ =	shalt  }
0x62: {  	_ =	shalt  }
0x63: {  	_ =	shalt  }
0x64: {  	_ =	shalt  }
0x65: {  	_ =	shalt  }
0x66: {  	_ =	shalt  }
0x67: {  	_ =	shalt  }
0x68: {  	_ =	shalt  }
0x69: {  	_ =	shalt  }
0x6a: {  	_ =	shalt  }
0x6b: {  	_ =	shalt  }
0x6c: {  	_ =	shalt  }
0x6d: {  	_ =	shalt  }
0x6e: {  	_ =	shalt  }
0x6f: {  	_ =	shalt  }
0x70: {  	_ =	shalt  }
0x71: {  	_ =	shalt  }
0x72: {  	_ =	shalt  }
0x73: {  	_ =	shalt  }
0x74: {  	_ =	shalt  }
0x75: {  	_ =	shalt  }
0x76: {  	_ =	shalt  }
0x77: {  	_ =	shalt  }
0x78: {  	_ =	shalt  }
0x79: {  	_ =	shalt  }
0x7a: {  	_ =	shalt  }
0x7b: {  	_ =	shalt  }
0x7c: {  	_ =	shalt  }
0x7d: {  	_ =	shalt  }
0x7e: {  	_ =	shalt  }
0x7f: {  	_ =	shalt  }
0x80: {  	_ =	shalt  }
0x81: {  	_ =	shalt  }
0x82: {  	_ =	shalt  }
0x83: {  	_ =	shalt  }
0x84: {  	_ =	shalt  }
0x85: {  	_ =	shalt  }
0x86: {  	_ =	shalt  }
0x87: {  	_ =	shalt  }
.Lfunc_end0:
.L_simem_size_0:
called_computation_lowered:
.L_overlay_start_0:
0x88: {  	s2 =	sld [smem:$0x3FD9]  }
0x89: {  	s3 =	sld [smem:$0x3FFE];
	_ =	sdelay $0x1  }
0x8a: {  	s1 =	srdreg.scid  }
0x8b: {  	s0 =	sand.u32 $0x1, s1  }
0x8c: {  	s17 =	sshll.u32 s0, $0xA;
	s2 =	sadd.s32 s3, s2  }
0x8d: {  	s2 =	sadd.s32 s2, s17  }
0x8e: {  	[smem:$0x3FB8] =	sst s2  }
0x8f: {  	_ = 	snop  }
0x90: {  	s2 =	sld [smem:$0x3FC9]  }
0x91: {  	s18 =	sld [smem:$0x3FC8]  }
0x92: {  	s4 =	sld [smem:$0x3FC5]  }
0x93: {  	s5 =	sld [smem:$0x3FC4];
	(tm) =	ssettm $0x1  }
0x94: {  	s6 =	sld [smem:$0x3FFB];
	_ =	sdelay $0x3  }
0x95: {  	_ =	strace s6  }
0x96: {  	s6 =	sld [smem:$0x3FFC];
	_ =	sdelay $0x3  }
0x97: {  	_ =	strace s6  }
0x98: {  	s6 =	sld [smem:$0x3FFD];
	_ =	sdelay $0x3  }
0x99: {  	_ =	strace s6  }
0x9a: {  	_ =	strace $0x8FFFFFFF  }
0x9b: {  	s19 =	sld [smem:$0x3FDB];
	_ =	sdelay $0x1  }
0x9c: {  	s7 =	simm.s32 $_scs_section_size  }
0x9d: {  	s8 =	simm.s32 $_size__tile_overlayer_lowered;
	s9 =	simm.s32 $_tile_overlayer_lowered  }
0x9e: {  	s22 =	simm.s32 $0x1BFF;
	s21 =	sshll.u32 s9, $0x1;
	s6 =	sadd.s32 s7, s19  }
0x9f: {  	s10 =	simm.s32 $0x0;
	s20 =	sshll.u32 s8, $0x1;
	s8 =	sadd.s32 s21, s6  }
0xa0: {  	[timem:s10], [sflag:s22] =	dma.local [hbm:s8], s20  }
0xa1: {  	_ =	swait.ge [sflag:s22], s20  }
0xa2: {  	s7 =	ssub.s32 $0x0, s20;
	[sflag:s22] =	ssyncset.done $0x0  }
0xa3: {  	[sflag:s22] =	ssyncadd.s32 s7;
	_ =	sdelay $0x1  }
0xa4: {  	s23 =	simm.s32 $0x1B8B  }
0xa5: {  	_ =	swait.ge [sflag:s23], $0x1  }
0xa6: {  	[sflag:s23] =	ssyncset.done $0x0  }
0xa7: {  	s25 =	simm.s32 $0x1B8E;
	s24 =	sld [smem:$0x3FFE];
	[sflag:s23] =	ssyncadd.s32 $0xFFFFFFFF  }
0xa8: {  	s26 =	simm.s32 $execute0_lowered;
	[smem:$0x3FD2] =	sst s25  }
0xa9: {  	s8 =	sshll.u32 s26, $0x1;
	_ =	strace $0x80000046;
	[dreg:$0x1] =	wrdreg $0xFFFFFFFF  }
0xaa: {  	s28 =	simm.s32 $_size_execute0_lowered;
	s6 =	sadd.s32 s6, s8;
	[dreg:$0x0] =	wrdreg $0x0  }
0xab: {  	s8 =	sshll.u32 s28, $0x1;
	[dreg:$0x2] =	wrdreg s6  }
0xac: {  	[dreg:$0x3] =	wrdreg s8  }
0xad: {  	[dreg:$0x4] =	wrdreg $0xC0  }
0xae: {  	_ =	task [dreg:s10], $0x5FFFF  }
0xaf: {  	[dreg:$0x1] =	wrdreg $0xFFFFFFFF  }
0xb0: {  	[dreg:$0x0] =	wrdreg $0x60  }
0xb1: {  	[dreg:$0x2] =	wrdreg s18  }
0xb2: {  	[dreg:$0x3] =	wrdreg s2  }
0xb3: {  	[dreg:$0x4] =	wrdreg s5  }
0xb4: {  	[dreg:$0x5] =	wrdreg s4  }
0xb5: {  	[dreg:$0x6] =	wrdreg s24  }
0xb6: {  	[dreg:$0x7] =	wrdreg $0x9  }
0xb7: {  	_ =	task.clear_ibuf [dreg:s10], $0x8FFFF;
	_ =	strace $0x90000046  }
0xb8: {  	s29 =	simm.s32 $0x9;
	_ =	strace $0x80000048  }
0xb9: {  	_ =	swait.ge [sflag:s29], $0x1  }
0xba: {  	[sflag:s29] =	ssyncadd.s32 $0xFFFFFFFF  }
0xbb: {  	_ =	strace $0x90000048  }
0xbc: {  	_ =	sfence  }
0xbd: {  	s30 =	sld [smem:$0x0];
	_ =	sdelay $0x2  }
0xbe: {  	s31 =	sshll.u32 s1, $0xD;
	s1 =	sshrl.u32 s1, $0x2  }
0xbf: {  	s3 =	sand.u32 $0x4000, s31;
	s1 =	sadd.s32 s1, s30  }
0xc0: {  	s0 =	sor.u32 s3, s0;
	s1 =	sshll.u32 s1, $0x11  }
0xc1: {  	s0 =	sor.u32 s1, s0  }
0xc2: {  	s0 =	sadd.s32 $0x8F2B, s0  }
0xc3: {  	[sflag:s0] =	ssyncadd.remote.s32 $0x1  }
0xc4: {  	_ =	sfence.sel $0xFFFF  }
0xc5: {  	[dreg:$0x0] =	wrdreg $0xFFFFFFFF;
	(pc) =	sbr.abs _section_cstart, $3  }
0xc6: {  	[dreg:$0x1] =	wrdreg $0xFFFFFFFF  }
0xc7: {  	_ =	task.clear_ibuf [dreg:s10], $0x2FFFF;
	_ =	strace $0x9FFFFFFF  }
0xc8: {  	(tm) =	ssettm $0x7FFFFFFF  }
0xc9: {  	_ =	shalt  }
tec
execute0_lowered:
.L_overlay_start_1:
0x0: {  	(tag) =	ssettag $0x1  }
0x1: {  	s0 =	rddreg [dreg:$0x0]  }
0x2: {  	s4 =	rddreg [dreg:$0x1]  }
0x3: {  	s1 =	rddreg [dreg:$0x2]  }
0x4: {  	s2 =	rddreg [dreg:$0x3]  }
0x5: {  	s9 =	rddreg [dreg:$0x4];
	s3 =	simm.s32 $0x0  }
0x6: {  	s6 =	srdreg.scid;
	s7 =	stileid.u32;
	s15 =	simm.s32 $0x400  }
0x7: {  	s14 =	simm.s32 $0x5;
	s19 =	simm.s32 $0xCC00;
	s20 =	simm.s32 $0xD400  }
0x8: {  	s21 =	simm.s32 $0xDC00;
	s22 =	simm.s32 $0xE400;
	s23 =	simm.s32 $0xEC00  }
0x9: {  	s28 =	simm.s32 $0x2;
	s29 =	simm.s32 $0x4;
	s30 =	simm.s32 $0x3  }
0xa: {  	s31 =	simm.s32 $0x10400;
	[smem:$0x7FF] =	sst s3;
	s5 =	sadd.s32 $0x188A00, s9  }
0xb: {  	s10 =	sand.u32 $0x1, s6;
	s6 =	sadd.s32 $0x30F400, s9;
	s11 =	sshll.u32 s7, $0x9  }
0xc: {  	s7 =	sadd.s32 $0x70F400, s9;
	s8 =	sshll.u32 s10, $0xD;
	s10 =	ssub.s32 $0x2, s10  }
0xd: {  	_ =	strace $0x80000047;
	s8 =	sor.u32 s11, s8;
	s12 =	sshrl.u32 s10, $0x1  }
0xe: {  	s11 =	sshll.u32 s8, $0x4;
	s13 =	sshrl.u32 s8, $0x3;
	s10 =	ssub.s32 s10, s12  }
.Ltmp0:
0xf: {  	s9 =	sadd.s32 s11, s9;
	s0 =	sadd.s32 s0, s13;
	(pc) =	sbr.rel .LBB2_1-.Ltmp0, $4  }
0x10: {  	s24 =	sadd.s32 s4, s13;
	s26 =	smax.u32 s10, $0x1;
	[dreg:$0x6] =	wrdreg s0  }
0x11: {  	v2 =	vlaneseq.u32;
	s10 =	simm.s32 $0x0;
	[dreg:$0x7] =	wrdreg s24;
	s25 =	sadd.s32 $0x2000, s9  }
0x12: {  	vm0 =	vmmov $0xffff;
	v1 =	vshrl.u32 v2, $0x3;
	[dreg:$0x9] =	wrdreg s26;
	s9 =	simm.s32 $0x8400;
	s24 =	simm.s32 $0xF400  }
0x13: {  	v0 =	vand.u32 $0x7, v2;
	v2 =	vor.u32 $0x8, v2;
	v1 =	vmul.u32 $0x8, v1;
	s26 =	simm.s32 $0x1;
	[dreg:$0x8] =	wrdreg s25;
	s25 =	simm.s32 $0xFC00  }
.LBB2_20:
0x14: {  	s0 =	simm.s32 $0x6  }
0x15: {  	_ =	swait.ge [sflag:s0], $0x8000  }
0x16: {  	[sflag:s0] =	ssyncset.done $0x0  }
0x17: {  	[sflag:s0] =	ssyncadd.s32 $0xFFFF8000  }
0x18: {  	_ =	swait.ge [sflag:s29], $0x8000  }
0x19: {  	[sflag:s29] =	ssyncset.done $0x0  }
0x1a: {  	[sflag:s29] =	ssyncadd.s32 $0xFFFF8000  }
0x1b: {  	_ =	swait.ge [sflag:s14], $0x8000  }
0x1c: {  	[sflag:s14] =	ssyncset.done $0x0  }
0x1d: {  	s4 =	simm.s32 $0x8;
	[sflag:s14] =	ssyncadd.s32 $0xFFFF8000  }
0x1e: {  	_ =	swait.ge [sflag:s4], $0x4000  }
0x1f: {  	s10 =	rddreg [dreg:$0xa]  }
0x20: {  	s18 =	rddreg [dreg:$0x9];
	s10 =	sadd.s32 $0x1, s10  }
0x21: {  	p0 =	sne.s32 s10, s18  }
.Ltmp1:
0x22: {  	_ = 	snop;
	(pc) =	sbr.rel @!p0 .LBB2_21-.Ltmp1, $3  }
0x23: {  	_ =	sdelay $0x1  }
0x24: {  	[sflag:s4] =	ssyncset.done $0x0  }
0x25: {  	[sflag:s4] =	ssyncadd.s32 $0xFFFFC000  }
.LBB2_1:
0x26: {  	[dreg:$0xa] =	wrdreg s10  }
0x27: {  	s0 =	rddreg [dreg:$0x6];
	s4 =	simm.s32 $0x9  }
0x28: {  	[tilespmem:s3], [sflag:$0x9] =	stream.linear.gather [hbm4b:s0+s3], $0x200, $0x38;
	[tilespmem:$0x1C400] =	vst v63  }
0x29: {  	_ =	swait.ge [sflag:s4], $0x200  }
0x2a: {  	[sflag:s4] =	ssyncset.done $0x0  }
0x2b: {  	s18 =	simm.s32 $0x200;
	s17 =	rddreg [dreg:$0x7];
	[sflag:s4] =	ssyncadd.s32 $0xFFFFFE00  }
0x2c: {  	[tilespmem:s18], [sflag:$0x9] =	stream.linear.gather [hbm4b:s17+s3], $0x200, $0x38;
	[tilespmem:$0x1C400] =	vst v63  }
0x2d: {  	_ =	swait.ge [sflag:s4], $0x200  }
0x2e: {  	[sflag:s4] =	ssyncset.done $0x0  }
0x2f: {  	[sflag:s4] =	ssyncadd.s32 $0xFFFFFE00  }
0x30: {  	v3 =	vld [tilespmem:$0x0];
	_ =	sdelay $0x4  }
0x31: {  	v4 =	vshll.u32 v3, $0x4  }
0x32: {  	v3 =	vand.u32 $0x7, v3;
	v4 =	vand.u32 $0xFFFFFF80, v4  }
0x33: {  	v3 =	vor.u32 v3, v4  }
0x34: {  	v4 =	vperm.xlane v3, v0;
	_ =	sdelay $0x1  }
0x35: {  	v3 =	vperm.xlane v3, v2;
	v4 =	vadd.s32 v1, v4;
	_ =	sdelay $0x1  }
0x36: {  	v3 =	vadd.s32 v1, v3;
	_ =	sdelay $0x2  }
0x37: {  	[tilespmem:s15], [sflag:$0x1] =	stream.indirect_vreg.gather [hbm4b:s1+s3], $0x80, v4, vm0, $0xb8;
	[tilespmem:$0x1C400] =	vst v63  }
0x38: {  	s10 =	simm.s32 $0xC00  }
0x39: {  	[tilespmem:s10], [sflag:$0x1] =	stream.indirect_vreg.gather [hbm4b:s1+s3], $0x80, v3, vm0, $0xb8;
	[tilespmem:$0x1C400] =	vst v63  }
0x3a: {  	v3 =	vld [tilespmem:$0x10];
	_ =	sdelay $0x4  }
0x3b: {  	v57 =	vshll.u32 v3, $0x4  }
0x3c: {  	v3 =	vand.u32 $0x7, v3;
	v4 =	vand.u32 $0xFFFFFF80, v57  }
0x3d: {  	v3 =	vor.u32 v3, v4  }
0x3e: {  	v4 =	vperm.xlane v3, v0;
	_ =	sdelay $0x1  }
0x3f: {  	v3 =	vperm.xlane v3, v2;
	v4 =	vadd.s32 v1, v4;
	_ =	sdelay $0x1  }
0x40: {  	v3 =	vadd.s32 v1, v3;
	_ =	sdelay $0x1  }
0x41: {  	s11 =	simm.s32 $0x1400  }
0x42: {  	[tilespmem:s11], [sflag:$0x1] =	stream.indirect_vreg.gather [hbm4b:s1+s3], $0x80, v4, vm0, $0xb8;
	[tilespmem:$0x1C400] =	vst v63  }
0x43: {  	s12 =	simm.s32 $0x1C00  }
0x44: {  	[tilespmem:s12], [sflag:$0x1] =	stream.indirect_vreg.gather [hbm4b:s1+s3], $0x80, v3, vm0, $0xb8;
	[tilespmem:$0x1C400] =	vst v63  }
0x45: {  	v3 =	vld [tilespmem:$0x20];
	_ =	sdelay $0x4  }
0x46: {  	v58 =	vshll.u32 v3, $0x4  }
0x47: {  	v3 =	vand.u32 $0x7, v3;
	v4 =	vand.u32 $0xFFFFFF80, v58  }
0x48: {  	v3 =	vor.u32 v3, v4  }
0x49: {  	v4 =	vperm.xlane v3, v0;
	_ =	sdelay $0x1  }
0x4a: {  	v3 =	vperm.xlane v3, v2;
	v4 =	vadd.s32 v1, v4;
	_ =	sdelay $0x1  }
0x4b: {  	v3 =	vadd.s32 v1, v3;
	_ =	sdelay $0x1  }
0x4c: {  	s13 =	simm.s32 $0x2400  }
0x4d: {  	[tilespmem:s13], [sflag:$0x1] =	stream.indirect_vreg.gather [hbm4b:s1+s3], $0x80, v4, vm0, $0xb8;
	[tilespmem:$0x1C400] =	vst v63  }
0x4e: {  	s16 =	simm.s32 $0x2C00  }
0x4f: {  	[tilespmem:s16], [sflag:$0x1] =	stream.indirect_vreg.gather [hbm4b:s1+s3], $0x80, v3, vm0, $0xb8;
	[tilespmem:$0x1C400] =	vst v63  }
0x50: {  	v3 =	vld [tilespmem:$0x30];
	_ =	sdelay $0x4  }
0x51: {  	v59 =	vshll.u32 v3, $0x4  }
0x52: {  	v3 =	vand.u32 $0x7, v3;
	v4 =	vand.u32 $0xFFFFFF80, v59  }
0x53: {  	v3 =	vor.u32 v3, v4  }
0x54: {  	v4 =	vperm.xlane v3, v0;
	_ =	sdelay $0x1  }
0x55: {  	v3 =	vperm.xlane v3, v2;
	v4 =	vadd.s32 v1, v4;
	_ =	sdelay $0x1  }
0x56: {  	v3 =	vadd.s32 v1, v3;
	_ =	sdelay $0x1  }
0x57: {  	s17 =	simm.s32 $0x3400  }
0x58: {  	[tilespmem:s17], [sflag:$0x1] =	stream.indirect_vreg.gather [hbm4b:s1+s3], $0x80, v4, vm0, $0xb8;
	[tilespmem:$0x1C400] =	vst v63  }
0x59: {  	s18 =	simm.s32 $0x3C00  }
0x5a: {  	[tilespmem:s18], [sflag:$0x1] =	stream.indirect_vreg.gather [hbm4b:s1+s3], $0x80, v3, vm0, $0xb8;
	[tilespmem:$0x1C400] =	vst v63  }
0x5b: {  	v3 =	vld [tilespmem:$0x40];
	_ =	sdelay $0x4  }
0x5c: {  	v60 =	vshll.u32 v3, $0x4  }
0x5d: {  	v3 =	vand.u32 $0x7, v3;
	v4 =	vand.u32 $0xFFFFFF80, v60  }
0x5e: {  	v3 =	vor.u32 v3, v4  }
0x5f: {  	v4 =	vperm.xlane v3, v0;
	_ =	sdelay $0x1  }
0x60: {  	v3 =	vperm.xlane v3, v2;
	v4 =	vadd.s32 v1, v4;
	_ =	sdelay $0x1  }
0x61: {  	v3 =	vadd.s32 v1, v3;
	_ =	sdelay $0x1  }
0x62: {  	s4 =	simm.s32 $0x4400  }
0x63: {  	[tilespmem:s4], [sflag:$0x1] =	stream.indirect_vreg.gather [hbm4b:s1+s3], $0x80, v4, vm0, $0xb8;
	[tilespmem:$0x1C400] =	vst v63  }
0x64: {  	s10 =	simm.s32 $0x4C00  }
0x65: {  	[tilespmem:s10], [sflag:$0x1] =	stream.indirect_vreg.gather [hbm4b:s1+s3], $0x80, v3, vm0, $0xb8;
	[tilespmem:$0x1C400] =	vst v63  }
0x66: {  	v3 =	vld [tilespmem:$0x50];
	_ =	sdelay $0x4  }
0x67: {  	v61 =	vshll.u32 v3, $0x4  }
0x68: {  	v3 =	vand.u32 $0x7, v3;
	v4 =	vand.u32 $0xFFFFFF80, v61  }
0x69: {  	v3 =	vor.u32 v3, v4  }
0x6a: {  	v4 =	vperm.xlane v3, v0;
	_ =	sdelay $0x1  }
0x6b: {  	v3 =	vperm.xlane v3, v2;
	v4 =	vadd.s32 v1, v4;
	_ =	sdelay $0x1  }
0x6c: {  	v3 =	vadd.s32 v1, v3;
	_ =	sdelay $0x1  }
0x6d: {  	s11 =	simm.s32 $0x5400  }
0x6e: {  	[tilespmem:s11], [sflag:$0x1] =	stream.indirect_vreg.gather [hbm4b:s1+s3], $0x80, v4, vm0, $0xb8;
	[tilespmem:$0x1C400] =	vst v63  }
0x6f: {  	s12 =	simm.s32 $0x5C00  }
0x70: {  	[tilespmem:s12], [sflag:$0x1] =	stream.indirect_vreg.gather [hbm4b:s1+s3], $0x80, v3, vm0, $0xb8;
	[tilespmem:$0x1C400] =	vst v63  }
0x71: {  	v3 =	vld [tilespmem:$0x60];
	_ =	sdelay $0x4  }
0x72: {  	v62 =	vshll.u32 v3, $0x4  }
0x73: {  	v3 =	vand.u32 $0x7, v3;
	v4 =	vand.u32 $0xFFFFFF80, v62  }
0x74: {  	v3 =	vor.u32 v3, v4  }
0x75: {  	v4 =	vperm.xlane v3, v0;
	_ =	sdelay $0x1  }
0x76: {  	v3 =	vperm.xlane v3, v2;
	v4 =	vadd.s32 v1, v4;
	_ =	sdelay $0x1  }
0x77: {  	v3 =	vadd.s32 v1, v3;
	_ =	sdelay $0x1  }
0x78: {  	s13 =	simm.s32 $0x6400  }
0x79: {  	[tilespmem:s13], [sflag:$0x1] =	stream.indirect_vreg.gather [hbm4b:s1+s3], $0x80, v4, vm0, $0xb8;
	[tilespmem:$0x1C400] =	vst v63  }
0x7a: {  	s16 =	simm.s32 $0x6C00  }
0x7b: {  	[tilespmem:s16], [sflag:$0x1] =	stream.indirect_vreg.gather [hbm4b:s1+s3], $0x80, v3, vm0, $0xb8;
	[tilespmem:$0x1C400] =	vst v63  }
0x7c: {  	v3 =	vld [tilespmem:$0x70];
	_ =	sdelay $0x4  }
0x7d: {  	v63 =	vshll.u32 v3, $0x4  }
0x7e: {  	v3 =	vand.u32 $0x7, v3;
	v4 =	vand.u32 $0xFFFFFF80, v63  }
0x7f: {  	v3 =	vor.u32 v3, v4  }
0x80: {  	v4 =	vperm.xlane v3, v0;
	_ =	sdelay $0x1  }
0x81: {  	v3 =	vperm.xlane v3, v2;
	v4 =	vadd.s32 v1, v4;
	_ =	sdelay $0x1  }
0x82: {  	v3 =	vadd.s32 v1, v3  }
.Ltmp2:
0x83: {  	_ = 	snop;
	(pc) =	sbr.rel .LBB2_2-.Ltmp2, $4  }
0x84: {  	s17 =	simm.s32 $0x7400  }
0x85: {  	[tilespmem:s17], [sflag:$0x1] =	stream.indirect_vreg.gather [hbm4b:s1+s3], $0x80, v4, vm0, $0xb8;
	[tilespmem:$0x1C400] =	vst v63  }
0x86: {  	s18 =	simm.s32 $0x7C00;
	s10 =	simm.s32 $0x0;
	s12 =	simm.s32 $0x0  }
0x87: {  	[tilespmem:s18], [sflag:$0x1] =	stream.indirect_vreg.gather [hbm4b:s1+s3], $0x80, v3, vm0, $0xb8;
	[tilespmem:$0x1C400] =	vst v63  }
.LBB2_18:
0x88: {  	v3 =	vld [tilespmem:s0+$0x0];
	_ =	sdelay $0x4  }
0x89: {  	v4 =	vshrl.u32 v3, $0x3  }
0x8a: {  	v4 =	vmul.u32 $0x30, v4  }
0x8b: {  	v3 =	vand.u32 $0x7, v3  }
0x8c: {  	v3 =	vor.u32 v3, v4  }
0x8d: {  	v4 =	vperm.xlane v3, v0;
	_ =	sdelay $0x1  }
0x8e: {  	v3 =	vperm.xlane v3, v2;
	v4 =	vadd.s32 v1, v4  }
0x8f: {  	s4 =	sshll.u32 s4, $0xB  }
0x90: {  	s4 =	sadd.s32 $0xFFFFC000, s4;
	v3 =	vadd.s32 v1, v3  }
0x91: {  	s4 =	sshrl.u32 s4, $0x3  }
0x92: {  	s4 =	sadd.s32 s2, s4  }
0x93: {  	[tilespmem:s15], [sflag:$0x1] =	stream.indirect_vreg.gather [hbm4b:s4+s3], $0x80, v4, vm0, $0xb8;
	[tilespmem:$0x1C400] =	vst v63  }
0x94: {  	s11 =	simm.s32 $0xC00  }
0x95: {  	[tilespmem:s11], [sflag:$0x1] =	stream.indirect_vreg.gather [hbm4b:s4+s3], $0x80, v3, vm0, $0xb8;
	[tilespmem:$0x1C400] =	vst v63  }
0x96: {  	v3 =	vld [tilespmem:s0+$0x10];
	_ =	sdelay $0x4  }
0x97: {  	v4 =	vshrl.u32 v3, $0x3  }
0x98: {  	v4 =	vmul.u32 $0x30, v4  }
0x99: {  	v3 =	vand.u32 $0x7, v3  }
0x9a: {  	v3 =	vor.u32 v3, v4  }
0x9b: {  	v4 =	vperm.xlane v3, v0;
	_ =	sdelay $0x1  }
0x9c: {  	v3 =	vperm.xlane v3, v2;
	v4 =	vadd.s32 v1, v4;
	_ =	sdelay $0x1  }
0x9d: {  	v3 =	vadd.s32 v1, v3;
	_ =	sdelay $0x1  }
0x9e: {  	s16 =	simm.s32 $0x1400  }
0x9f: {  	[tilespmem:s16], [sflag:$0x1] =	stream.indirect_vreg.gather [hbm4b:s4+s3], $0x80, v4, vm0, $0xb8;
	[tilespmem:$0x1C400] =	vst v63  }
0xa0: {  	s17 =	simm.s32 $0x1C00  }
0xa1: {  	[tilespmem:s17], [sflag:$0x1] =	stream.indirect_vreg.gather [hbm4b:s4+s3], $0x80, v3, vm0, $0xb8;
	[tilespmem:$0x1C400] =	vst v63  }
0xa2: {  	v3 =	vld [tilespmem:s0+$0x20];
	_ =	sdelay $0x4  }
0xa3: {  	v4 =	vshrl.u32 v3, $0x3  }
0xa4: {  	v4 =	vmul.u32 $0x30, v4  }
0xa5: {  	v3 =	vand.u32 $0x7, v3  }
0xa6: {  	v3 =	vor.u32 v3, v4  }
0xa7: {  	v4 =	vperm.xlane v3, v0;
	_ =	sdelay $0x1  }
0xa8: {  	v3 =	vperm.xlane v3, v2;
	v4 =	vadd.s32 v1, v4;
	_ =	sdelay $0x1  }
0xa9: {  	v3 =	vadd.s32 v1, v3;
	_ =	sdelay $0x1  }
0xaa: {  	s18 =	simm.s32 $0x2400  }
0xab: {  	[tilespmem:s18], [sflag:$0x1] =	stream.indirect_vreg.gather [hbm4b:s4+s3], $0x80, v4, vm0, $0xb8;
	[tilespmem:$0x1C400] =	vst v63  }
0xac: {  	s16 =	simm.s32 $0x2C00  }
0xad: {  	[tilespmem:s16], [sflag:$0x1] =	stream.indirect_vreg.gather [hbm4b:s4+s3], $0x80, v3, vm0, $0xb8;
	[tilespmem:$0x1C400] =	vst v63  }
0xae: {  	v3 =	vld [tilespmem:s0+$0x30];
	_ =	sdelay $0x4  }
0xaf: {  	v4 =	vshrl.u32 v3, $0x3  }
0xb0: {  	v4 =	vmul.u32 $0x30, v4  }
0xb1: {  	v3 =	vand.u32 $0x7, v3  }
0xb2: {  	v3 =	vor.u32 v3, v4  }
0xb3: {  	v4 =	vperm.xlane v3, v0;
	_ =	sdelay $0x1  }
0xb4: {  	v3 =	vperm.xlane v3, v2;
	v4 =	vadd.s32 v1, v4;
	_ =	sdelay $0x1  }
0xb5: {  	v3 =	vadd.s32 v1, v3;
	_ =	sdelay $0x1  }
0xb6: {  	s17 =	simm.s32 $0x3400  }
0xb7: {  	[tilespmem:s17], [sflag:$0x1] =	stream.indirect_vreg.gather [hbm4b:s4+s3], $0x80, v4, vm0, $0xb8;
	[tilespmem:$0x1C400] =	vst v63  }
0xb8: {  	s18 =	simm.s32 $0x3C00  }
0xb9: {  	[tilespmem:s18], [sflag:$0x1] =	stream.indirect_vreg.gather [hbm4b:s4+s3], $0x80, v3, vm0, $0xb8;
	[tilespmem:$0x1C400] =	vst v63  }
0xba: {  	v3 =	vld [tilespmem:s0+$0x40];
	_ =	sdelay $0x4  }
0xbb: {  	v4 =	vshrl.u32 v3, $0x3  }
0xbc: {  	v4 =	vmul.u32 $0x30, v4  }
0xbd: {  	v3 =	vand.u32 $0x7, v3  }
0xbe: {  	v3 =	vor.u32 v3, v4  }
0xbf: {  	v4 =	vperm.xlane v3, v0;
	_ =	sdelay $0x1  }
0xc0: {  	v3 =	vperm.xlane v3, v2;
	v4 =	vadd.s32 v1, v4;
	_ =	sdelay $0x1  }
0xc1: {  	v3 =	vadd.s32 v1, v3;
	_ =	sdelay $0x1  }
0xc2: {  	s16 =	simm.s32 $0x4400  }
0xc3: {  	[tilespmem:s16], [sflag:$0x1] =	stream.indirect_vreg.gather [hbm4b:s4+s3], $0x80, v4, vm0, $0xb8;
	[tilespmem:$0x1C400] =	vst v63  }
0xc4: {  	s17 =	simm.s32 $0x4C00  }
0xc5: {  	[tilespmem:s17], [sflag:$0x1] =	stream.indirect_vreg.gather [hbm4b:s4+s3], $0x80, v3, vm0, $0xb8;
	[tilespmem:$0x1C400] =	vst v63  }
0xc6: {  	v3 =	vld [tilespmem:s0+$0x50];
	_ =	sdelay $0x4  }
0xc7: {  	v4 =	vshrl.u32 v3, $0x3  }
0xc8: {  	v4 =	vmul.u32 $0x30, v4  }
0xc9: {  	v3 =	vand.u32 $0x7, v3  }
0xca: {  	v3 =	vor.u32 v3, v4  }
0xcb: {  	v4 =	vperm.xlane v3, v0;
	_ =	sdelay $0x1  }
0xcc: {  	v3 =	vperm.xlane v3, v2;
	v4 =	vadd.s32 v1, v4;
	_ =	sdelay $0x1  }
0xcd: {  	v3 =	vadd.s32 v1, v3;
	_ =	sdelay $0x1  }
0xce: {  	s18 =	simm.s32 $0x5400  }
0xcf: {  	[tilespmem:s18], [sflag:$0x1] =	stream.indirect_vreg.gather [hbm4b:s4+s3], $0x80, v4, vm0, $0xb8;
	[tilespmem:$0x1C400] =	vst v63  }
0xd0: {  	s16 =	simm.s32 $0x5C00  }
0xd1: {  	[tilespmem:s16], [sflag:$0x1] =	stream.indirect_vreg.gather [hbm4b:s4+s3], $0x80, v3, vm0, $0xb8;
	[tilespmem:$0x1C400] =	vst v63  }
0xd2: {  	v3 =	vld [tilespmem:s0+$0x60];
	_ =	sdelay $0x4  }
0xd3: {  	v4 =	vshrl.u32 v3, $0x3  }
0xd4: {  	v4 =	vmul.u32 $0x30, v4  }
0xd5: {  	v3 =	vand.u32 $0x7, v3  }
0xd6: {  	v3 =	vor.u32 v3, v4  }
0xd7: {  	v4 =	vperm.xlane v3, v0;
	_ =	sdelay $0x1  }
0xd8: {  	v3 =	vperm.xlane v3, v2;
	v4 =	vadd.s32 v1, v4;
	_ =	sdelay $0x1  }
0xd9: {  	v3 =	vadd.s32 v1, v3;
	_ =	sdelay $0x1  }
0xda: {  	s17 =	simm.s32 $0x6400  }
0xdb: {  	[tilespmem:s17], [sflag:$0x1] =	stream.indirect_vreg.gather [hbm4b:s4+s3], $0x80, v4, vm0, $0xb8;
	[tilespmem:$0x1C400] =	vst v63  }
0xdc: {  	s18 =	simm.s32 $0x6C00  }
0xdd: {  	[tilespmem:s18], [sflag:$0x1] =	stream.indirect_vreg.gather [hbm4b:s4+s3], $0x80, v3, vm0, $0xb8;
	[tilespmem:$0x1C400] =	vst v63  }
0xde: {  	v3 =	vld [tilespmem:s0+$0x70];
	_ =	sdelay $0x4  }
0xdf: {  	v4 =	vshrl.u32 v3, $0x3  }
0xe0: {  	v4 =	vmul.u32 $0x30, v4  }
0xe1: {  	v3 =	vand.u32 $0x7, v3  }
0xe2: {  	v3 =	vor.u32 v3, v4  }
.LBB2_19:
0xe3: {  	v4 =	vperm.xlane v3, v0;
	_ =	sdelay $0x1  }
0xe4: {  	s0 =	sand.u32 $0xFF, s13;
	v4 =	vadd.s32 v1, v4  }
0xe5: {  	s0 =	smul.u32 $0x75, s0;
	_ =	sdelay $0x1  }
0xe6: {  	s0 =	sshrl.u32 s0, $0x8  }
0xe7: {  	s11 =	simm.s32 $0x7400;
	v3 =	vperm.xlane v3, v2;
	s17 =	ssub.s32 s13, s0  }
0xe8: {  	[tilespmem:s11], [sflag:$0x1] =	stream.indirect_vreg.gather [hbm4b:s4+s3], $0x80, v4, vm0, $0xb8;
	[tilespmem:$0x1C400] =	vst v63  }
0xe9: {  	v3 =	vadd.s32 v1, v3;
	s11 =	sand.u32 $0xFE, s17  }
0xea: {  	s11 =	sshrl.u32 s11, $0x1  }
0xeb: {  	s0 =	sadd.s32 s0, s11  }
0xec: {  	s0 =	sshrl.u32 s0, $0x3  }
0xed: {  	s16 =	simm.s32 $0x7C00;
	s18 =	smul.u32 $0xFFFFFFF5, s0  }
0xee: {  	[tilespmem:s16], [sflag:$0x1] =	stream.indirect_vreg.gather [hbm4b:s4+s3], $0x80, v3, vm0, $0xb8;
	[tilespmem:$0x1C400] =	vst v63  }
0xef: {  	s4 =	sadd.s32 s13, s18  }
0xf0: {  	s0 =	sshll.u32 s0, $0x7;
	p0 =	sgt.s32 s4, $0x7  }
0xf1: {  	s0 =	sadd.s32 s8, s0;
	s11 =	sshll.u32 @p0 s4, $0x13  }
0xf2: {  	s13 =	sshll.u32 @p0 s0, $0x5;
	s4 =	sshll.u32 @!p0 s4, $0x16;
	s0 =	sshll.u32 @!p0 s0, $0x8  }
0xf3: {  	s10 =	sadd.s32 $0x1, s10;
	s11 =	sadd.s32 @p0 s13, s11;
	s0 =	sadd.s32 @!p0 s0, s4  }
0xf4: {  	_ =	swait.ge [sflag:s30], $0x8000;
	s4 =	sadd.s32 @p0 s7, s11;
	s0 =	sshrl.u32 @!p0 s0, $0x3  }
0xf5: {  	[sflag:s30] =	ssyncset.done $0x0;
	s4 =	sadd.s32 @p0 $0xFFC00000, s4;
	s0 =	sadd.s32 @!p0 s6, s0  }
0xf6: {  	s12 =	sadd.s32 $0x3, s12;
	[sflag:s30] =	ssyncadd.s32 $0xFFFF8000;
	s0 =	smov.u32 @p0 s4  }
0xf7: {  	[hbm4b:s0+s3] =	stream.linear.scatter [tilespmem:s31], [sflag:$0x6], $0x8000, $0x38;
	[tilespmem:$0x1C400] =	vst v63  }
.LBB2_2:
0xf8: {  	s4 =	sand.u32 $0x9, s10  }
0xf9: {  	p0 =	seq.s32 s4, $0x1  }
.Ltmp3:
0xfa: {  	_ = 	snop;
	(pc) =	sbr.rel @p0 .LBB2_5-.Ltmp3, $2  }
0xfb: {  	_ =	sdelay $0x2  }
0xfc: {  	s0 =	sshrl.u32 s10, $0x1  }
0xfd: {  	p0 =	sne.s32 s4, $0x0  }
0xfe: {  	p1 =	seq.s32 @!p0 s0, $0x0  }
0xff: {  	p1 =	por p1, p0  }
0x100: {  	s4 =	simm.s32 @!p1 $0x8  }
0x101: {  	s0 =	sshll.u32 @!p0 s0, $0x7;
	_ =	swait.ge @!p1 [sflag:s4], $0x4000  }
0x102: {  	s11 =	simm.s32 @!p0 $0x18400;
	s0 =	sand.u32 @!p0 $0x3FFFFF80, s0;
	[sflag:s4] =	ssyncset.done @!p1 $0x0  }
0x103: {  	s0 =	sadd.s32 @!p0 $0x200, s0;
	[sflag:s4] =	ssyncadd.s32 @!p1 $0xFFFFC000;
	s4 =	simm.s32 @!p0 $0x80  }
0x104: {  	[tilespmem:s11], [sflag:$0x7] =	stream.indirect.gather @!p0 [hbm4b:s5+s4], $0x80, s0, s4, $0xb8;
	[tilespmem:$0x1C400] =	vst v63  }
0x105: {  	p0 =	seq.s32 s12, $0x0  }
.Ltmp4:
0x106: {  	_ = 	snop;
	(pc) =	sbr.rel @!p0 .LBB2_6-.Ltmp4, $2  }
0x107: {  	_ =	sdelay $0x2  }
0x108: {  	s4 =	sadd.s32 $0x1, s12  }
.Ltmp5:
0x109: {  	(pc) =	sbr.rel .LBB2_7-.Ltmp5, $2  }
0x10a: {  	_ =	sdelay $0x2  }
0x10b: {  	s0 =	simm.s32 $0x0;
	p1 =	por $0x1, $0x1  }
.LBB2_5:
0x10c: {  	s4 =	simm.s32 $0x7  }
0x10d: {  	s0 =	sshll.u32 s0, $0xB;
	s18 =	smul.u32 $0x3, s10;
	_ =	swait.ge [sflag:s4], $0x4000  }
0x10e: {  	s17 =	simm.s32 $0x18400;
	[sflag:s4] =	ssyncset.done $0x0;
	s16 =	rddreg [dreg:$0x8]  }
0x10f: {  	[sflag:s4] =	ssyncadd.s32 $0xFFFFC000;
	s0 =	sadd.s32 s0, s16;
	s4 =	sadd.s32 $0x1, s18  }
0x110: {  	[hbm4b:s0+s3] =	stream.linear.scatter [tilespmem:s17], [sflag:$0x8], $0x4000, $0x38;
	[tilespmem:$0x1C400] =	vst v63  }
.LBB2_6:
0x111: {  	_ =	swait.ge [sflag:s14], $0x8000  }
0x112: {  	[sflag:s14] =	ssyncset.done $0x0  }
0x113: {  	p1 =	por $0x0, $0x0;
	s0 =	smov.u32 s12;
	[sflag:s14] =	ssyncadd.s32 $0xFFFF8000  }
.LBB2_7:
0x114: {  	s11 =	sand.u32 $0xFF, s4  }
0x115: {  	s11 =	smul.u32 $0x75, s11;
	_ =	sdelay $0x1  }
0x116: {  	s11 =	sshrl.u32 s11, $0x8  }
0x117: {  	s13 =	ssub.s32 s4, s11  }
0x118: {  	s13 =	sand.u32 $0xFE, s13  }
0x119: {  	s13 =	sshrl.u32 s13, $0x1  }
0x11a: {  	s11 =	sadd.s32 s11, s13  }
0x11b: {  	s11 =	sshrl.u32 s11, $0x3  }
0x11c: {  	s18 =	smul.u32 $0xFFFFFFF5, s11;
	_ =	sdelay $0x1  }
0x11d: {  	s4 =	sadd.s32 s4, s18  }
0x11e: {  	p0 =	sgt.s32 s4, $0x7  }
.Ltmp6:
0x11f: {  	_ = 	snop;
	(pc) =	sbr.rel @!p0 .LBB2_8-.Ltmp6, $2  }
0x120: {  	_ =	sdelay $0x2  }
0x121: {  	s11 =	sshll.u32 s11, $0x7  }
0x122: {  	v3 =	vld [tilespmem:s11+$0x0];
	_ =	sdelay $0x4  }
0x123: {  	v4 =	vshrl.u32 v3, $0x3  }
0x124: {  	v4 =	vmul.u32 $0x30, v4  }
0x125: {  	v3 =	vand.u32 $0x7, v3  }
0x126: {  	v3 =	vor.u32 v3, v4  }
0x127: {  	v4 =	vperm.xlane v3, v0;
	_ =	sdelay $0x1  }
0x128: {  	v3 =	vperm.xlane v3, v2;
	v4 =	vadd.s32 v1, v4  }
0x129: {  	s13 =	sshll.u32 s4, $0xB  }
0x12a: {  	s13 =	sadd.s32 $0xFFFFC000, s13;
	v3 =	vadd.s32 v1, v3  }
0x12b: {  	s13 =	sshrl.u32 s13, $0x3  }
0x12c: {  	s13 =	sadd.s32 s2, s13  }
0x12d: {  	[tilespmem:s9], [sflag:$0x2] =	stream.indirect_vreg.gather [hbm4b:s13+s3], $0x80, v4, vm0, $0xb8;
	[tilespmem:$0x1C400] =	vst v63  }
0x12e: {  	s16 =	simm.s32 $0x8C00  }
0x12f: {  	[tilespmem:s16], [sflag:$0x2] =	stream.indirect_vreg.gather [hbm4b:s13+s3], $0x80, v3, vm0, $0xb8;
	[tilespmem:$0x1C400] =	vst v63  }
0x130: {  	v3 =	vld [tilespmem:s11+$0x10];
	_ =	sdelay $0x4  }
0x131: {  	v4 =	vshrl.u32 v3, $0x3  }
0x132: {  	v4 =	vmul.u32 $0x30, v4  }
0x133: {  	v3 =	vand.u32 $0x7, v3  }
0x134: {  	v3 =	vor.u32 v3, v4  }
0x135: {  	v4 =	vperm.xlane v3, v0;
	_ =	sdelay $0x1  }
0x136: {  	v3 =	vperm.xlane v3, v2;
	v4 =	vadd.s32 v1, v4;
	_ =	sdelay $0x1  }
0x137: {  	v3 =	vadd.s32 v1, v3;
	_ =	sdelay $0x1  }
0x138: {  	s18 =	simm.s32 $0x9400  }
0x139: {  	[tilespmem:s18], [sflag:$0x2] =	stream.indirect_vreg.gather [hbm4b:s13+s3], $0x80, v4, vm0, $0xb8;
	[tilespmem:$0x1C400] =	vst v63  }
0x13a: {  	s17 =	simm.s32 $0x9C00  }
0x13b: {  	[tilespmem:s17], [sflag:$0x2] =	stream.indirect_vreg.gather [hbm4b:s13+s3], $0x80, v3, vm0, $0xb8;
	[tilespmem:$0x1C400] =	vst v63  }
0x13c: {  	v3 =	vld [tilespmem:s11+$0x20];
	_ =	sdelay $0x4  }
0x13d: {  	v4 =	vshrl.u32 v3, $0x3  }
0x13e: {  	v4 =	vmul.u32 $0x30, v4  }
0x13f: {  	v3 =	vand.u32 $0x7, v3  }
0x140: {  	v3 =	vor.u32 v3, v4  }
0x141: {  	v4 =	vperm.xlane v3, v0;
	_ =	sdelay $0x1  }
0x142: {  	v3 =	vperm.xlane v3, v2;
	v4 =	vadd.s32 v1, v4;
	_ =	sdelay $0x1  }
0x143: {  	v3 =	vadd.s32 v1, v3;
	_ =	sdelay $0x1  }
0x144: {  	s18 =	simm.s32 $0xA400  }
0x145: {  	[tilespmem:s18], [sflag:$0x2] =	stream.indirect_vreg.gather [hbm4b:s13+s3], $0x80, v4, vm0, $0xb8;
	[tilespmem:$0x1C400] =	vst v63  }
0x146: {  	s17 =	simm.s32 $0xAC00  }
0x147: {  	[tilespmem:s17], [sflag:$0x2] =	stream.indirect_vreg.gather [hbm4b:s13+s3], $0x80, v3, vm0, $0xb8;
	[tilespmem:$0x1C400] =	vst v63  }
0x148: {  	v3 =	vld [tilespmem:s11+$0x30];
	_ =	sdelay $0x4  }
0x149: {  	v4 =	vshrl.u32 v3, $0x3  }
0x14a: {  	v4 =	vmul.u32 $0x30, v4  }
0x14b: {  	v3 =	vand.u32 $0x7, v3  }
0x14c: {  	v3 =	vor.u32 v3, v4  }
0x14d: {  	v4 =	vperm.xlane v3, v0;
	_ =	sdelay $0x1  }
0x14e: {  	v3 =	vperm.xlane v3, v2;
	v4 =	vadd.s32 v1, v4;
	_ =	sdelay $0x1  }
0x14f: {  	v3 =	vadd.s32 v1, v3;
	_ =	sdelay $0x1  }
0x150: {  	s18 =	simm.s32 $0xB400  }
0x151: {  	[tilespmem:s18], [sflag:$0x2] =	stream.indirect_vreg.gather [hbm4b:s13+s3], $0x80, v4, vm0, $0xb8;
	[tilespmem:$0x1C400] =	vst v63  }
0x152: {  	s17 =	simm.s32 $0xBC00  }
0x153: {  	[tilespmem:s17], [sflag:$0x2] =	stream.indirect_vreg.gather [hbm4b:s13+s3], $0x80, v3, vm0, $0xb8;
	[tilespmem:$0x1C400] =	vst v63  }
0x154: {  	v3 =	vld [tilespmem:s11+$0x40];
	_ =	sdelay $0x4  }
0x155: {  	v4 =	vshrl.u32 v3, $0x3  }
0x156: {  	v4 =	vmul.u32 $0x30, v4  }
0x157: {  	v3 =	vand.u32 $0x7, v3  }
0x158: {  	v3 =	vor.u32 v3, v4  }
0x159: {  	v4 =	vperm.xlane v3, v0;
	_ =	sdelay $0x1  }
0x15a: {  	v3 =	vperm.xlane v3, v2;
	v4 =	vadd.s32 v1, v4;
	_ =	sdelay $0x1  }
0x15b: {  	v3 =	vadd.s32 v1, v3;
	_ =	sdelay $0x1  }
0x15c: {  	s18 =	simm.s32 $0xC400  }
0x15d: {  	[tilespmem:s18], [sflag:$0x2] =	stream.indirect_vreg.gather [hbm4b:s13+s3], $0x80, v4, vm0, $0xb8;
	[tilespmem:$0x1C400] =	vst v63  }
0x15e: {  	_ = 	snop  }
0x15f: {  	[tilespmem:s19], [sflag:$0x2] =	stream.indirect_vreg.gather [hbm4b:s13+s3], $0x80, v3, vm0, $0xb8;
	[tilespmem:$0x1C400] =	vst v63  }
0x160: {  	v3 =	vld [tilespmem:s11+$0x50];
	_ =	sdelay $0x4  }
0x161: {  	v4 =	vshrl.u32 v3, $0x3  }
0x162: {  	v4 =	vmul.u32 $0x30, v4  }
0x163: {  	v3 =	vand.u32 $0x7, v3  }
0x164: {  	v3 =	vor.u32 v3, v4  }
0x165: {  	v4 =	vperm.xlane v3, v0;
	_ =	sdelay $0x1  }
0x166: {  	v3 =	vperm.xlane v3, v2;
	v4 =	vadd.s32 v1, v4;
	_ =	sdelay $0x1  }
0x167: {  	v3 =	vadd.s32 v1, v3;
	_ =	sdelay $0x2  }
0x168: {  	[tilespmem:s20], [sflag:$0x2] =	stream.indirect_vreg.gather [hbm4b:s13+s3], $0x80, v4, vm0, $0xb8;
	[tilespmem:$0x1C400] =	vst v63  }
0x169: {  	_ = 	snop  }
0x16a: {  	[tilespmem:s21], [sflag:$0x2] =	stream.indirect_vreg.gather [hbm4b:s13+s3], $0x80, v3, vm0, $0xb8;
	[tilespmem:$0x1C400] =	vst v63  }
0x16b: {  	v3 =	vld [tilespmem:s11+$0x60];
	_ =	sdelay $0x4  }
0x16c: {  	v4 =	vshrl.u32 v3, $0x3  }
0x16d: {  	v4 =	vmul.u32 $0x30, v4  }
0x16e: {  	v3 =	vand.u32 $0x7, v3  }
0x16f: {  	v3 =	vor.u32 v3, v4  }
0x170: {  	v4 =	vperm.xlane v3, v0;
	_ =	sdelay $0x1  }
0x171: {  	v3 =	vperm.xlane v3, v2;
	v4 =	vadd.s32 v1, v4;
	_ =	sdelay $0x1  }
0x172: {  	v3 =	vadd.s32 v1, v3;
	_ =	sdelay $0x2  }
0x173: {  	[tilespmem:s22], [sflag:$0x2] =	stream.indirect_vreg.gather [hbm4b:s13+s3], $0x80, v4, vm0, $0xb8;
	[tilespmem:$0x1C400] =	vst v63  }
0x174: {  	_ = 	snop  }
0x175: {  	[tilespmem:s23], [sflag:$0x2] =	stream.indirect_vreg.gather [hbm4b:s13+s3], $0x80, v3, vm0, $0xb8;
	[tilespmem:$0x1C400] =	vst v63  }
0x176: {  	v3 =	vld [tilespmem:s11+$0x70];
	_ =	sdelay $0x3  }
.Ltmp7:
0x177: {  	_ = 	snop;
	(pc) =	sbr.rel .LBB2_10-.Ltmp7, $4  }
0x178: {  	v4 =	vshrl.u32 v3, $0x3  }
0x179: {  	v4 =	vmul.u32 $0x30, v4  }
0x17a: {  	v3 =	vand.u32 $0x7, v3  }
0x17b: {  	v3 =	vor.u32 v3, v4  }
.LBB2_8:
0x17c: {  	v3 =	vld [tilespmem:s11+$0x0];
	_ =	sdelay $0x4  }
0x17d: {  	v4 =	vshll.u32 v3, $0x4  }
0x17e: {  	v3 =	vand.u32 $0x7, v3;
	v4 =	vand.u32 $0xFFFFFF80, v4  }
0x17f: {  	v3 =	vor.u32 v3, v4  }
0x180: {  	v4 =	vperm.xlane v3, v0;
	_ =	sdelay $0x1  }
0x181: {  	v3 =	vperm.xlane v3, v2;
	v4 =	vadd.s32 v1, v4;
	_ =	sdelay $0x1  }
0x182: {  	s13 =	sshll.u32 s4, $0x8;
	v3 =	vadd.s32 v1, v3  }
0x183: {  	s13 =	sand.u32 $0x1FFFFF00, s13  }
0x184: {  	s13 =	sadd.s32 s1, s13  }
0x185: {  	[tilespmem:s9], [sflag:$0x2] =	stream.indirect_vreg.gather [hbm4b:s13+s3], $0x80, v4, vm0, $0xb8;
	[tilespmem:$0x1C400] =	vst v63  }
0x186: {  	s16 =	simm.s32 $0x8C00  }
0x187: {  	[tilespmem:s16], [sflag:$0x2] =	stream.indirect_vreg.gather [hbm4b:s13+s3], $0x80, v3, vm0, $0xb8;
	[tilespmem:$0x1C400] =	vst v63  }
0x188: {  	v3 =	vld [tilespmem:s11+$0x10];
	_ =	sdelay $0x4  }
0x189: {  	v4 =	vshll.u32 v3, $0x4  }
0x18a: {  	v3 =	vand.u32 $0x7, v3;
	v4 =	vand.u32 $0xFFFFFF80, v4  }
0x18b: {  	v3 =	vor.u32 v3, v4  }
0x18c: {  	v4 =	vperm.xlane v3, v0;
	_ =	sdelay $0x1  }
0x18d: {  	v3 =	vperm.xlane v3, v2;
	v4 =	vadd.s32 v1, v4;
	_ =	sdelay $0x1  }
0x18e: {  	v3 =	vadd.s32 v1, v3;
	_ =	sdelay $0x1  }
0x18f: {  	s18 =	simm.s32 $0x9400  }
0x190: {  	[tilespmem:s18], [sflag:$0x2] =	stream.indirect_vreg.gather [hbm4b:s13+s3], $0x80, v4, vm0, $0xb8;
	[tilespmem:$0x1C400] =	vst v63  }
0x191: {  	s17 =	simm.s32 $0x9C00  }
0x192: {  	[tilespmem:s17], [sflag:$0x2] =	stream.indirect_vreg.gather [hbm4b:s13+s3], $0x80, v3, vm0, $0xb8;
	[tilespmem:$0x1C400] =	vst v63  }
0x193: {  	v3 =	vld [tilespmem:s11+$0x20];
	_ =	sdelay $0x4  }
0x194: {  	v4 =	vshll.u32 v3, $0x4  }
0x195: {  	v3 =	vand.u32 $0x7, v3;
	v4 =	vand.u32 $0xFFFFFF80, v4  }
0x196: {  	v3 =	vor.u32 v3, v4  }
0x197: {  	v4 =	vperm.xlane v3, v0;
	_ =	sdelay $0x1  }
0x198: {  	v3 =	vperm.xlane v3, v2;
	v4 =	vadd.s32 v1, v4;
	_ =	sdelay $0x1  }
0x199: {  	v3 =	vadd.s32 v1, v3;
	_ =	sdelay $0x1  }
0x19a: {  	s18 =	simm.s32 $0xA400  }
0x19b: {  	[tilespmem:s18], [sflag:$0x2] =	stream.indirect_vreg.gather [hbm4b:s13+s3], $0x80, v4, vm0, $0xb8;
	[tilespmem:$0x1C400] =	vst v63  }
0x19c: {  	s17 =	simm.s32 $0xAC00  }
0x19d: {  	[tilespmem:s17], [sflag:$0x2] =	stream.indirect_vreg.gather [hbm4b:s13+s3], $0x80, v3, vm0, $0xb8;
	[tilespmem:$0x1C400] =	vst v63  }
0x19e: {  	v3 =	vld [tilespmem:s11+$0x30];
	_ =	sdelay $0x4  }
0x19f: {  	v4 =	vshll.u32 v3, $0x4  }
0x1a0: {  	v3 =	vand.u32 $0x7, v3;
	v4 =	vand.u32 $0xFFFFFF80, v4  }
0x1a1: {  	v3 =	vor.u32 v3, v4  }
0x1a2: {  	v4 =	vperm.xlane v3, v0;
	_ =	sdelay $0x1  }
0x1a3: {  	v3 =	vperm.xlane v3, v2;
	v4 =	vadd.s32 v1, v4;
	_ =	sdelay $0x1  }
0x1a4: {  	v3 =	vadd.s32 v1, v3;
	_ =	sdelay $0x1  }
0x1a5: {  	s18 =	simm.s32 $0xB400  }
0x1a6: {  	[tilespmem:s18], [sflag:$0x2] =	stream.indirect_vreg.gather [hbm4b:s13+s3], $0x80, v4, vm0, $0xb8;
	[tilespmem:$0x1C400] =	vst v63  }
0x1a7: {  	s17 =	simm.s32 $0xBC00  }
0x1a8: {  	[tilespmem:s17], [sflag:$0x2] =	stream.indirect_vreg.gather [hbm4b:s13+s3], $0x80, v3, vm0, $0xb8;
	[tilespmem:$0x1C400] =	vst v63  }
0x1a9: {  	v3 =	vld [tilespmem:s11+$0x40];
	_ =	sdelay $0x4  }
0x1aa: {  	v4 =	vshll.u32 v3, $0x4  }
0x1ab: {  	v3 =	vand.u32 $0x7, v3;
	v4 =	vand.u32 $0xFFFFFF80, v4  }
0x1ac: {  	v3 =	vor.u32 v3, v4  }
0x1ad: {  	v4 =	vperm.xlane v3, v0;
	_ =	sdelay $0x1  }
0x1ae: {  	v3 =	vperm.xlane v3, v2;
	v4 =	vadd.s32 v1, v4;
	_ =	sdelay $0x1  }
0x1af: {  	v3 =	vadd.s32 v1, v3;
	_ =	sdelay $0x1  }
0x1b0: {  	s18 =	simm.s32 $0xC400  }
0x1b1: {  	[tilespmem:s18], [sflag:$0x2] =	stream.indirect_vreg.gather [hbm4b:s13+s3], $0x80, v4, vm0, $0xb8;
	[tilespmem:$0x1C400] =	vst v63  }
0x1b2: {  	_ = 	snop  }
0x1b3: {  	[tilespmem:s19], [sflag:$0x2] =	stream.indirect_vreg.gather [hbm4b:s13+s3], $0x80, v3, vm0, $0xb8;
	[tilespmem:$0x1C400] =	vst v63  }
0x1b4: {  	v3 =	vld [tilespmem:s11+$0x50];
	_ =	sdelay $0x4  }
0x1b5: {  	v4 =	vshll.u32 v3, $0x4  }
0x1b6: {  	v3 =	vand.u32 $0x7, v3;
	v4 =	vand.u32 $0xFFFFFF80, v4  }
0x1b7: {  	v3 =	vor.u32 v3, v4  }
0x1b8: {  	v4 =	vperm.xlane v3, v0;
	_ =	sdelay $0x1  }
0x1b9: {  	v3 =	vperm.xlane v3, v2;
	v4 =	vadd.s32 v1, v4;
	_ =	sdelay $0x1  }
0x1ba: {  	v3 =	vadd.s32 v1, v3;
	_ =	sdelay $0x2  }
0x1bb: {  	[tilespmem:s20], [sflag:$0x2] =	stream.indirect_vreg.gather [hbm4b:s13+s3], $0x80, v4, vm0, $0xb8;
	[tilespmem:$0x1C400] =	vst v63  }
0x1bc: {  	_ = 	snop  }
0x1bd: {  	[tilespmem:s21], [sflag:$0x2] =	stream.indirect_vreg.gather [hbm4b:s13+s3], $0x80, v3, vm0, $0xb8;
	[tilespmem:$0x1C400] =	vst v63  }
0x1be: {  	v3 =	vld [tilespmem:s11+$0x60];
	_ =	sdelay $0x4  }
0x1bf: {  	v4 =	vshll.u32 v3, $0x4  }
0x1c0: {  	v3 =	vand.u32 $0x7, v3;
	v4 =	vand.u32 $0xFFFFFF80, v4  }
0x1c1: {  	v3 =	vor.u32 v3, v4  }
0x1c2: {  	v4 =	vperm.xlane v3, v0;
	_ =	sdelay $0x1  }
0x1c3: {  	v3 =	vperm.xlane v3, v2;
	v4 =	vadd.s32 v1, v4;
	_ =	sdelay $0x1  }
0x1c4: {  	v3 =	vadd.s32 v1, v3;
	_ =	sdelay $0x2  }
0x1c5: {  	[tilespmem:s22], [sflag:$0x2] =	stream.indirect_vreg.gather [hbm4b:s13+s3], $0x80, v4, vm0, $0xb8;
	[tilespmem:$0x1C400] =	vst v63  }
0x1c6: {  	_ = 	snop  }
0x1c7: {  	[tilespmem:s23], [sflag:$0x2] =	stream.indirect_vreg.gather [hbm4b:s13+s3], $0x80, v3, vm0, $0xb8;
	[tilespmem:$0x1C400] =	vst v63  }
0x1c8: {  	v3 =	vld [tilespmem:s11+$0x70];
	_ =	sdelay $0x4  }
0x1c9: {  	v4 =	vshll.u32 v3, $0x4  }
0x1ca: {  	v3 =	vand.u32 $0x7, v3;
	v4 =	vand.u32 $0xFFFFFF80, v4  }
0x1cb: {  	v3 =	vor.u32 v3, v4  }
.LBB2_10:
0x1cc: {  	v4 =	vperm.xlane v3, v0;
	s16 =	sand.u32 $0xFF, s0  }
0x1cd: {  	s16 =	smul.u32 $0x75, s16  }
0x1ce: {  	v4 =	vadd.s32 v1, v4  }
0x1cf: {  	s16 =	sshrl.u32 s16, $0x8  }
0x1d0: {  	v3 =	vperm.xlane v3, v2;
	s17 =	ssub.s32 s0, s16  }
0x1d1: {  	s17 =	sand.u32 $0xFE, s17  }
0x1d2: {  	v3 =	vadd.s32 v1, v3;
	s17 =	sshrl.u32 s17, $0x1  }
0x1d3: {  	[tilespmem:s24], [sflag:$0x2] =	stream.indirect_vreg.gather [hbm4b:s13+s3], $0x80, v4, vm0, $0xb8;
	[tilespmem:$0x1C400] =	vst v63  }
0x1d4: {  	s16 =	sadd.s32 s16, s17  }
0x1d5: {  	s16 =	sshrl.u32 s16, $0x3  }
0x1d6: {  	s18 =	smul.u32 $0xFFFFFFF5, s16  }
0x1d7: {  	[tilespmem:s25], [sflag:$0x2] =	stream.indirect_vreg.gather [hbm4b:s13+s3], $0x80, v3, vm0, $0xb8;
	[tilespmem:$0x1C400] =	vst v63  }
0x1d8: {  	s13 =	sadd.s32 s0, s18  }
0x1d9: {  	s16 =	sshll.u32 s16, $0x7;
	p2 =	sgt.s32 s13, $0x7  }
0x1da: {  	s16 =	sadd.s32 s8, s16;
	s17 =	sshll.u32 @p2 s13, $0x13  }
0x1db: {  	s18 =	sshll.u32 @p2 s16, $0x5;
	s13 =	sshll.u32 @!p2 s13, $0x16;
	s16 =	sshll.u32 @!p2 s16, $0x8  }
0x1dc: {  	s17 =	sadd.s32 @p2 s18, s17;
	s13 =	sadd.s32 @!p2 s16, s13  }
0x1dd: {  	s16 =	sadd.s32 @p2 s7, s17;
	s13 =	sshrl.u32 @!p2 s13, $0x3  }
0x1de: {  	s16 =	sadd.s32 @p2 $0xFFC00000, s16;
	s13 =	sadd.s32 @!p2 s6, s13  }
0x1df: {  	s13 =	smov.u32 @p2 s16;
	p2 =	seq.s32 s10, $0xE  }
.Ltmp8:
0x1e0: {  	_ =	swait.ge [sflag:s26], $0x8000;
	(pc) =	sbr.rel @p2 .LBB2_15-.Ltmp8, $4  }
0x1e1: {  	[sflag:s26] =	ssyncset.done $0x0  }
0x1e2: {  	[sflag:s26] =	ssyncadd.s32 $0xFFFF8000  }
0x1e3: {  	[hbm4b:s13+s3] =	stream.linear.scatter [tilespmem:s15], [sflag:$0x4], $0x8000, $0x38;
	[tilespmem:$0x1C400] =	vst v63  }
0x1e4: {  	s13 =	sadd.s32 $0x2, s0  }
0x1e5: {  	s16 =	sand.u32 $0xFF, s13  }
0x1e6: {  	s16 =	smul.u32 $0x75, s16;
	_ =	sdelay $0x1  }
0x1e7: {  	s16 =	sshrl.u32 s16, $0x8  }
0x1e8: {  	s17 =	ssub.s32 s13, s16  }
0x1e9: {  	s17 =	sand.u32 $0xFE, s17  }
0x1ea: {  	s17 =	sshrl.u32 s17, $0x1  }
0x1eb: {  	s16 =	sadd.s32 s16, s17  }
0x1ec: {  	s16 =	sshrl.u32 s16, $0x3  }
0x1ed: {  	s17 =	smul.u32 $0xFFFFFFF5, s16;
	_ =	sdelay $0x1  }
0x1ee: {  	s17 =	sadd.s32 s13, s17  }
0x1ef: {  	p3 =	sgt.s32 s17, $0x7  }
.Ltmp9:
0x1f0: {  	_ = 	snop;
	(pc) =	sbr.rel @p3 .LBB2_13-.Ltmp9, $4  }
0x1f1: {  	s18 =	simm.s32 @!p1 $0x6  }
0x1f2: {  	_ =	swait.ge @!p1 [sflag:s18], $0x8000  }
0x1f3: {  	[sflag:s18] =	ssyncset.done @!p1 $0x0  }
0x1f4: {  	[sflag:s18] =	ssyncadd.s32 @!p1 $0xFFFF8000;
	s16 =	sshll.u32 s16, $0x7  }
0x1f5: {  	v3 =	vld [tilespmem:s16+$0x0];
	_ =	sdelay $0x4  }
0x1f6: {  	v4 =	vshll.u32 v3, $0x4  }
0x1f7: {  	v3 =	vand.u32 $0x7, v3;
	v4 =	vand.u32 $0xFFFFFF80, v4  }
0x1f8: {  	v3 =	vor.u32 v3, v4  }
0x1f9: {  	v4 =	vperm.xlane v3, v0;
	_ =	sdelay $0x1  }
0x1fa: {  	v3 =	vperm.xlane v3, v2;
	v4 =	vadd.s32 v1, v4;
	_ =	sdelay $0x1  }
0x1fb: {  	s17 =	sshll.u32 s17, $0x8;
	v3 =	vadd.s32 v1, v3  }
0x1fc: {  	s17 =	sand.u32 $0x1FFFFF00, s17  }
0x1fd: {  	s17 =	sadd.s32 s1, s17  }
0x1fe: {  	[tilespmem:s31], [sflag:$0x3] =	stream.indirect_vreg.gather [hbm4b:s17+s3], $0x80, v4, vm0, $0xb8;
	[tilespmem:$0x1C400] =	vst v63  }
0x1ff: {  	s18 =	simm.s32 $0x10C00  }
0x200: {  	[tilespmem:s18], [sflag:$0x3] =	stream.indirect_vreg.gather [hbm4b:s17+s3], $0x80, v3, vm0, $0xb8;
	[tilespmem:$0x1C400] =	vst v63  }
0x201: {  	v3 =	vld [tilespmem:s16+$0x10];
	_ =	sdelay $0x4  }
0x202: {  	v4 =	vshll.u32 v3, $0x4  }
0x203: {  	v3 =	vand.u32 $0x7, v3;
	v4 =	vand.u32 $0xFFFFFF80, v4  }
0x204: {  	v3 =	vor.u32 v3, v4  }
0x205: {  	v4 =	vperm.xlane v3, v0;
	_ =	sdelay $0x1  }
0x206: {  	v3 =	vperm.xlane v3, v2;
	v4 =	vadd.s32 v1, v4;
	_ =	sdelay $0x1  }
0x207: {  	v3 =	vadd.s32 v1, v3;
	_ =	sdelay $0x1  }
0x208: {  	s18 =	simm.s32 $0x11400  }
0x209: {  	[tilespmem:s18], [sflag:$0x3] =	stream.indirect_vreg.gather [hbm4b:s17+s3], $0x80, v4, vm0, $0xb8;
	[tilespmem:$0x1C400] =	vst v63  }
0x20a: {  	s18 =	simm.s32 $0x11C00  }
0x20b: {  	[tilespmem:s18], [sflag:$0x3] =	stream.indirect_vreg.gather [hbm4b:s17+s3], $0x80, v3, vm0, $0xb8;
	[tilespmem:$0x1C400] =	vst v63  }
0x20c: {  	v3 =	vld [tilespmem:s16+$0x20];
	_ =	sdelay $0x4  }
0x20d: {  	v4 =	vshll.u32 v3, $0x4  }
0x20e: {  	v3 =	vand.u32 $0x7, v3;
	v4 =	vand.u32 $0xFFFFFF80, v4  }
0x20f: {  	v3 =	vor.u32 v3, v4  }
0x210: {  	v4 =	vperm.xlane v3, v0;
	_ =	sdelay $0x1  }
0x211: {  	v3 =	vperm.xlane v3, v2;
	v4 =	vadd.s32 v1, v4;
	_ =	sdelay $0x1  }
0x212: {  	v3 =	vadd.s32 v1, v3;
	_ =	sdelay $0x1  }
0x213: {  	s18 =	simm.s32 $0x12400  }
0x214: {  	[tilespmem:s18], [sflag:$0x3] =	stream.indirect_vreg.gather [hbm4b:s17+s3], $0x80, v4, vm0, $0xb8;
	[tilespmem:$0x1C400] =	vst v63  }
0x215: {  	s18 =	simm.s32 $0x12C00  }
0x216: {  	[tilespmem:s18], [sflag:$0x3] =	stream.indirect_vreg.gather [hbm4b:s17+s3], $0x80, v3, vm0, $0xb8;
	[tilespmem:$0x1C400] =	vst v63  }
0x217: {  	v3 =	vld [tilespmem:s16+$0x30];
	_ =	sdelay $0x4  }
0x218: {  	v4 =	vshll.u32 v3, $0x4  }
0x219: {  	v3 =	vand.u32 $0x7, v3;
	v4 =	vand.u32 $0xFFFFFF80, v4  }
0x21a: {  	v3 =	vor.u32 v3, v4  }
0x21b: {  	v4 =	vperm.xlane v3, v0;
	_ =	sdelay $0x1  }
0x21c: {  	v3 =	vperm.xlane v3, v2;
	v4 =	vadd.s32 v1, v4;
	_ =	sdelay $0x1  }
0x21d: {  	v3 =	vadd.s32 v1, v3;
	_ =	sdelay $0x1  }
0x21e: {  	s18 =	simm.s32 $0x13400  }
0x21f: {  	[tilespmem:s18], [sflag:$0x3] =	stream.indirect_vreg.gather [hbm4b:s17+s3], $0x80, v4, vm0, $0xb8;
	[tilespmem:$0x1C400] =	vst v63  }
0x220: {  	s18 =	simm.s32 $0x13C00  }
0x221: {  	[tilespmem:s18], [sflag:$0x3] =	stream.indirect_vreg.gather [hbm4b:s17+s3], $0x80, v3, vm0, $0xb8;
	[tilespmem:$0x1C400] =	vst v63  }
0x222: {  	v3 =	vld [tilespmem:s16+$0x40];
	_ =	sdelay $0x4  }
0x223: {  	v4 =	vshll.u32 v3, $0x4  }
0x224: {  	v3 =	vand.u32 $0x7, v3;
	v4 =	vand.u32 $0xFFFFFF80, v4  }
0x225: {  	v3 =	vor.u32 v3, v4  }
0x226: {  	v4 =	vperm.xlane v3, v0;
	_ =	sdelay $0x1  }
0x227: {  	v3 =	vperm.xlane v3, v2;
	v4 =	vadd.s32 v1, v4;
	_ =	sdelay $0x1  }
0x228: {  	v3 =	vadd.s32 v1, v3;
	_ =	sdelay $0x1  }
0x229: {  	s18 =	simm.s32 $0x14400  }
0x22a: {  	[tilespmem:s18], [sflag:$0x3] =	stream.indirect_vreg.gather [hbm4b:s17+s3], $0x80, v4, vm0, $0xb8;
	[tilespmem:$0x1C400] =	vst v63  }
0x22b: {  	s18 =	simm.s32 $0x14C00  }
0x22c: {  	[tilespmem:s18], [sflag:$0x3] =	stream.indirect_vreg.gather [hbm4b:s17+s3], $0x80, v3, vm0, $0xb8;
	[tilespmem:$0x1C400] =	vst v63  }
0x22d: {  	v3 =	vld [tilespmem:s16+$0x50];
	_ =	sdelay $0x4  }
0x22e: {  	v4 =	vshll.u32 v3, $0x4  }
0x22f: {  	v3 =	vand.u32 $0x7, v3;
	v4 =	vand.u32 $0xFFFFFF80, v4  }
0x230: {  	v3 =	vor.u32 v3, v4  }
0x231: {  	v4 =	vperm.xlane v3, v0;
	_ =	sdelay $0x1  }
0x232: {  	v3 =	vperm.xlane v3, v2;
	v4 =	vadd.s32 v1, v4;
	_ =	sdelay $0x1  }
0x233: {  	v3 =	vadd.s32 v1, v3;
	_ =	sdelay $0x1  }
0x234: {  	s18 =	simm.s32 $0x15400  }
0x235: {  	[tilespmem:s18], [sflag:$0x3] =	stream.indirect_vreg.gather [hbm4b:s17+s3], $0x80, v4, vm0, $0xb8;
	[tilespmem:$0x1C400] =	vst v63  }
0x236: {  	s18 =	simm.s32 $0x15C00  }
0x237: {  	[tilespmem:s18], [sflag:$0x3] =	stream.indirect_vreg.gather [hbm4b:s17+s3], $0x80, v3, vm0, $0xb8;
	[tilespmem:$0x1C400] =	vst v63  }
0x238: {  	v3 =	vld [tilespmem:s16+$0x60];
	_ =	sdelay $0x4  }
0x239: {  	v4 =	vshll.u32 v3, $0x4  }
0x23a: {  	v3 =	vand.u32 $0x7, v3;
	v4 =	vand.u32 $0xFFFFFF80, v4  }
0x23b: {  	v3 =	vor.u32 v3, v4  }
0x23c: {  	v4 =	vperm.xlane v3, v0;
	_ =	sdelay $0x1  }
0x23d: {  	v3 =	vperm.xlane v3, v2;
	v4 =	vadd.s32 v1, v4;
	_ =	sdelay $0x1  }
0x23e: {  	v3 =	vadd.s32 v1, v3;
	_ =	sdelay $0x1  }
0x23f: {  	s18 =	simm.s32 $0x16400  }
0x240: {  	[tilespmem:s18], [sflag:$0x3] =	stream.indirect_vreg.gather [hbm4b:s17+s3], $0x80, v4, vm0, $0xb8;
	[tilespmem:$0x1C400] =	vst v63  }
0x241: {  	s18 =	simm.s32 $0x16C00  }
0x242: {  	[tilespmem:s18], [sflag:$0x3] =	stream.indirect_vreg.gather [hbm4b:s17+s3], $0x80, v3, vm0, $0xb8;
	[tilespmem:$0x1C400] =	vst v63  }
0x243: {  	v3 =	vld [tilespmem:s16+$0x70];
	_ =	sdelay $0x2  }
.Ltmp10:
0x244: {  	_ = 	snop;
	(pc) =	sbr.rel .LBB2_14-.Ltmp10, $4  }
0x245: {  	_ = 	snop  }
0x246: {  	v4 =	vshll.u32 v3, $0x4  }
0x247: {  	v3 =	vand.u32 $0x7, v3;
	v4 =	vand.u32 $0xFFFFFF80, v4  }
0x248: {  	v3 =	vor.u32 v3, v4  }
.LBB2_13:
0x249: {  	v3 =	vld [tilespmem:s16+$0x0];
	_ =	sdelay $0x4  }
0x24a: {  	v4 =	vshrl.u32 v3, $0x3  }
0x24b: {  	v4 =	vmul.u32 $0x30, v4  }
0x24c: {  	v3 =	vand.u32 $0x7, v3  }
0x24d: {  	v3 =	vor.u32 v3, v4  }
0x24e: {  	v4 =	vperm.xlane v3, v0;
	_ =	sdelay $0x1  }
0x24f: {  	v3 =	vperm.xlane v3, v2;
	v4 =	vadd.s32 v1, v4  }
0x250: {  	s17 =	sshll.u32 s17, $0xB  }
0x251: {  	s17 =	sadd.s32 $0xFFFFC000, s17;
	v3 =	vadd.s32 v1, v3  }
0x252: {  	s17 =	sshrl.u32 s17, $0x3  }
0x253: {  	s17 =	sadd.s32 s2, s17  }
0x254: {  	[tilespmem:s31], [sflag:$0x3] =	stream.indirect_vreg.gather [hbm4b:s17+s3], $0x80, v4, vm0, $0xb8;
	[tilespmem:$0x1C400] =	vst v63  }
0x255: {  	s18 =	simm.s32 $0x10C00  }
0x256: {  	[tilespmem:s18], [sflag:$0x3] =	stream.indirect_vreg.gather [hbm4b:s17+s3], $0x80, v3, vm0, $0xb8;
	[tilespmem:$0x1C400] =	vst v63  }
0x257: {  	v3 =	vld [tilespmem:s16+$0x10];
	_ =	sdelay $0x4  }
0x258: {  	v4 =	vshrl.u32 v3, $0x3  }
0x259: {  	v4 =	vmul.u32 $0x30, v4  }
0x25a: {  	v3 =	vand.u32 $0x7, v3  }
0x25b: {  	v3 =	vor.u32 v3, v4  }
0x25c: {  	v4 =	vperm.xlane v3, v0;
	_ =	sdelay $0x1  }
0x25d: {  	v3 =	vperm.xlane v3, v2;
	v4 =	vadd.s32 v1, v4;
	_ =	sdelay $0x1  }
0x25e: {  	v3 =	vadd.s32 v1, v3;
	_ =	sdelay $0x1  }
0x25f: {  	s18 =	simm.s32 $0x11400  }
0x260: {  	[tilespmem:s18], [sflag:$0x3] =	stream.indirect_vreg.gather [hbm4b:s17+s3], $0x80, v4, vm0, $0xb8;
	[tilespmem:$0x1C400] =	vst v63  }
0x261: {  	s18 =	simm.s32 $0x11C00  }
0x262: {  	[tilespmem:s18], [sflag:$0x3] =	stream.indirect_vreg.gather [hbm4b:s17+s3], $0x80, v3, vm0, $0xb8;
	[tilespmem:$0x1C400] =	vst v63  }
0x263: {  	v3 =	vld [tilespmem:s16+$0x20];
	_ =	sdelay $0x4  }
0x264: {  	v4 =	vshrl.u32 v3, $0x3  }
0x265: {  	v4 =	vmul.u32 $0x30, v4  }
0x266: {  	v3 =	vand.u32 $0x7, v3  }
0x267: {  	v3 =	vor.u32 v3, v4  }
0x268: {  	v4 =	vperm.xlane v3, v0;
	_ =	sdelay $0x1  }
0x269: {  	v3 =	vperm.xlane v3, v2;
	v4 =	vadd.s32 v1, v4;
	_ =	sdelay $0x1  }
0x26a: {  	v3 =	vadd.s32 v1, v3;
	_ =	sdelay $0x1  }
0x26b: {  	s18 =	simm.s32 $0x12400  }
0x26c: {  	[tilespmem:s18], [sflag:$0x3] =	stream.indirect_vreg.gather [hbm4b:s17+s3], $0x80, v4, vm0, $0xb8;
	[tilespmem:$0x1C400] =	vst v63  }
0x26d: {  	s18 =	simm.s32 $0x12C00  }
0x26e: {  	[tilespmem:s18], [sflag:$0x3] =	stream.indirect_vreg.gather [hbm4b:s17+s3], $0x80, v3, vm0, $0xb8;
	[tilespmem:$0x1C400] =	vst v63  }
0x26f: {  	v3 =	vld [tilespmem:s16+$0x30];
	_ =	sdelay $0x4  }
0x270: {  	v4 =	vshrl.u32 v3, $0x3  }
0x271: {  	v4 =	vmul.u32 $0x30, v4  }
0x272: {  	v3 =	vand.u32 $0x7, v3  }
0x273: {  	v3 =	vor.u32 v3, v4  }
0x274: {  	v4 =	vperm.xlane v3, v0;
	_ =	sdelay $0x1  }
0x275: {  	v3 =	vperm.xlane v3, v2;
	v4 =	vadd.s32 v1, v4;
	_ =	sdelay $0x1  }
0x276: {  	v3 =	vadd.s32 v1, v3;
	_ =	sdelay $0x1  }
0x277: {  	s18 =	simm.s32 $0x13400  }
0x278: {  	[tilespmem:s18], [sflag:$0x3] =	stream.indirect_vreg.gather [hbm4b:s17+s3], $0x80, v4, vm0, $0xb8;
	[tilespmem:$0x1C400] =	vst v63  }
0x279: {  	s18 =	simm.s32 $0x13C00  }
0x27a: {  	[tilespmem:s18], [sflag:$0x3] =	stream.indirect_vreg.gather [hbm4b:s17+s3], $0x80, v3, vm0, $0xb8;
	[tilespmem:$0x1C400] =	vst v63  }
0x27b: {  	v3 =	vld [tilespmem:s16+$0x40];
	_ =	sdelay $0x4  }
0x27c: {  	v4 =	vshrl.u32 v3, $0x3  }
0x27d: {  	v4 =	vmul.u32 $0x30, v4  }
0x27e: {  	v3 =	vand.u32 $0x7, v3  }
0x27f: {  	v3 =	vor.u32 v3, v4  }
0x280: {  	v4 =	vperm.xlane v3, v0;
	_ =	sdelay $0x1  }
0x281: {  	v3 =	vperm.xlane v3, v2;
	v4 =	vadd.s32 v1, v4;
	_ =	sdelay $0x1  }
0x282: {  	v3 =	vadd.s32 v1, v3;
	_ =	sdelay $0x1  }
0x283: {  	s18 =	simm.s32 $0x14400  }
0x284: {  	[tilespmem:s18], [sflag:$0x3] =	stream.indirect_vreg.gather [hbm4b:s17+s3], $0x80, v4, vm0, $0xb8;
	[tilespmem:$0x1C400] =	vst v63  }
0x285: {  	s18 =	simm.s32 $0x14C00  }
0x286: {  	[tilespmem:s18], [sflag:$0x3] =	stream.indirect_vreg.gather [hbm4b:s17+s3], $0x80, v3, vm0, $0xb8;
	[tilespmem:$0x1C400] =	vst v63  }
0x287: {  	v3 =	vld [tilespmem:s16+$0x50];
	_ =	sdelay $0x4  }
0x288: {  	v4 =	vshrl.u32 v3, $0x3  }
0x289: {  	v4 =	vmul.u32 $0x30, v4  }
0x28a: {  	v3 =	vand.u32 $0x7, v3  }
0x28b: {  	v3 =	vor.u32 v3, v4  }
0x28c: {  	v4 =	vperm.xlane v3, v0;
	_ =	sdelay $0x1  }
0x28d: {  	v3 =	vperm.xlane v3, v2;
	v4 =	vadd.s32 v1, v4;
	_ =	sdelay $0x1  }
0x28e: {  	v3 =	vadd.s32 v1, v3;
	_ =	sdelay $0x1  }
0x28f: {  	s18 =	simm.s32 $0x15400  }
0x290: {  	[tilespmem:s18], [sflag:$0x3] =	stream.indirect_vreg.gather [hbm4b:s17+s3], $0x80, v4, vm0, $0xb8;
	[tilespmem:$0x1C400] =	vst v63  }
0x291: {  	s18 =	simm.s32 $0x15C00  }
0x292: {  	[tilespmem:s18], [sflag:$0x3] =	stream.indirect_vreg.gather [hbm4b:s17+s3], $0x80, v3, vm0, $0xb8;
	[tilespmem:$0x1C400] =	vst v63  }
0x293: {  	v3 =	vld [tilespmem:s16+$0x60];
	_ =	sdelay $0x4  }
0x294: {  	v4 =	vshrl.u32 v3, $0x3  }
0x295: {  	v4 =	vmul.u32 $0x30, v4  }
0x296: {  	v3 =	vand.u32 $0x7, v3  }
0x297: {  	v3 =	vor.u32 v3, v4  }
0x298: {  	v4 =	vperm.xlane v3, v0;
	_ =	sdelay $0x1  }
0x299: {  	v3 =	vperm.xlane v3, v2;
	v4 =	vadd.s32 v1, v4;
	_ =	sdelay $0x1  }
0x29a: {  	v3 =	vadd.s32 v1, v3;
	_ =	sdelay $0x1  }
0x29b: {  	s18 =	simm.s32 $0x16400  }
0x29c: {  	[tilespmem:s18], [sflag:$0x3] =	stream.indirect_vreg.gather [hbm4b:s17+s3], $0x80, v4, vm0, $0xb8;
	[tilespmem:$0x1C400] =	vst v63  }
0x29d: {  	s18 =	simm.s32 $0x16C00  }
0x29e: {  	[tilespmem:s18], [sflag:$0x3] =	stream.indirect_vreg.gather [hbm4b:s17+s3], $0x80, v3, vm0, $0xb8;
	[tilespmem:$0x1C400] =	vst v63  }
0x29f: {  	v3 =	vld [tilespmem:s16+$0x70];
	_ =	sdelay $0x4  }
0x2a0: {  	v4 =	vshrl.u32 v3, $0x3  }
0x2a1: {  	v4 =	vmul.u32 $0x30, v4  }
0x2a2: {  	v3 =	vand.u32 $0x7, v3  }
0x2a3: {  	v3 =	vor.u32 v3, v4  }
.LBB2_14:
0x2a4: {  	v4 =	vperm.xlane v3, v0;
	_ =	sdelay $0x1  }
0x2a5: {  	v3 =	vperm.xlane v3, v2;
	v4 =	vadd.s32 v1, v4;
	_ =	sdelay $0x1  }
0x2a6: {  	v3 =	vadd.s32 v1, v3;
	_ =	sdelay $0x1  }
0x2a7: {  	s16 =	simm.s32 $0x17400  }
0x2a8: {  	[tilespmem:s16], [sflag:$0x3] =	stream.indirect_vreg.gather [hbm4b:s17+s3], $0x80, v4, vm0, $0xb8;
	[tilespmem:$0x1C400] =	vst v63  }
0x2a9: {  	s18 =	simm.s32 $0x17C00  }
0x2aa: {  	[tilespmem:s18], [sflag:$0x3] =	stream.indirect_vreg.gather [hbm4b:s17+s3], $0x80, v3, vm0, $0xb8;
	[tilespmem:$0x1C400] =	vst v63  }
.LBB2_15:
0x2ab: {  	s11 =	sadd.s32 s8, s11;
	s16 =	sshll.u32 @p0 s4, $0x13  }
0x2ac: {  	s4 =	sshll.u32 @!p0 s4, $0x16;
	s17 =	sshll.u32 @p0 s11, $0x5;
	s11 =	sshll.u32 @!p0 s11, $0x8  }
.Ltmp11:
0x2ad: {  	s16 =	sadd.s32 @p0 s17, s16;
	s4 =	sadd.s32 @!p0 s11, s4;
	(pc) =	sbr.rel @p2 .LBB2_20-.Ltmp11, $4  }
0x2ae: {  	_ =	swait.ge [sflag:s28], $0x8000;
	s11 =	sadd.s32 @p0 s7, s16;
	s4 =	sshrl.u32 @!p0 s4, $0x3  }
0x2af: {  	[sflag:s28] =	ssyncset.done $0x0;
	s11 =	sadd.s32 @p0 $0xFFC00000, s11;
	s4 =	sadd.s32 @!p0 s6, s4  }
0x2b0: {  	[sflag:s28] =	ssyncadd.s32 $0xFFFF8000;
	s4 =	smov.u32 @p0 s11  }
0x2b1: {  	[hbm4b:s4+s3] =	stream.linear.scatter [tilespmem:s9], [sflag:$0x5], $0x8000, $0x38;
	[tilespmem:$0x1C400] =	vst v63  }
0x2b2: {  	s0 =	sadd.s32 $0x3, s0  }
0x2b3: {  	s4 =	sand.u32 $0xFF, s0  }
0x2b4: {  	s4 =	smul.u32 $0x75, s4;
	_ =	sdelay $0x1  }
0x2b5: {  	s4 =	sshrl.u32 s4, $0x8  }
0x2b6: {  	s11 =	ssub.s32 s0, s4  }
0x2b7: {  	s11 =	sand.u32 $0xFE, s11  }
0x2b8: {  	s11 =	sshrl.u32 s11, $0x1  }
0x2b9: {  	s4 =	sadd.s32 s4, s11  }
0x2ba: {  	s11 =	sshrl.u32 s4, $0x3  }
0x2bb: {  	s4 =	smul.u32 $0xFFFFFFF5, s11;
	_ =	sdelay $0x1  }
0x2bc: {  	s4 =	sadd.s32 s0, s4  }
0x2bd: {  	p0 =	sgt.s32 s4, $0x7  }
.Ltmp12:
0x2be: {  	_ = 	snop;
	(pc) =	sbr.rel @p0 .LBB2_18-.Ltmp12, $4  }
0x2bf: {  	_ = 	snop  }
0x2c0: {  	_ =	swait.ge [sflag:s29], $0x8000  }
0x2c1: {  	[sflag:s29] =	ssyncset.done $0x0  }
0x2c2: {  	[sflag:s29] =	ssyncadd.s32 $0xFFFF8000;
	s0 =	sshll.u32 s11, $0x7  }
0x2c3: {  	v3 =	vld [tilespmem:s0+$0x0];
	_ =	sdelay $0x4  }
0x2c4: {  	v4 =	vshll.u32 v3, $0x4  }
0x2c5: {  	v3 =	vand.u32 $0x7, v3;
	v4 =	vand.u32 $0xFFFFFF80, v4  }
0x2c6: {  	v3 =	vor.u32 v3, v4  }
0x2c7: {  	v4 =	vperm.xlane v3, v0;
	_ =	sdelay $0x1  }
0x2c8: {  	v3 =	vperm.xlane v3, v2;
	v4 =	vadd.s32 v1, v4;
	_ =	sdelay $0x1  }
0x2c9: {  	s4 =	sshll.u32 s4, $0x8;
	v3 =	vadd.s32 v1, v3  }
0x2ca: {  	s4 =	sand.u32 $0x1FFFFF00, s4  }
0x2cb: {  	s4 =	sadd.s32 s1, s4  }
0x2cc: {  	[tilespmem:s15], [sflag:$0x1] =	stream.indirect_vreg.gather [hbm4b:s4+s3], $0x80, v4, vm0, $0xb8;
	[tilespmem:$0x1C400] =	vst v63  }
0x2cd: {  	s11 =	simm.s32 $0xC00  }
0x2ce: {  	[tilespmem:s11], [sflag:$0x1] =	stream.indirect_vreg.gather [hbm4b:s4+s3], $0x80, v3, vm0, $0xb8;
	[tilespmem:$0x1C400] =	vst v63  }
0x2cf: {  	v3 =	vld [tilespmem:s0+$0x10];
	_ =	sdelay $0x4  }
0x2d0: {  	v4 =	vshll.u32 v3, $0x4  }
0x2d1: {  	v3 =	vand.u32 $0x7, v3;
	v4 =	vand.u32 $0xFFFFFF80, v4  }
0x2d2: {  	v3 =	vor.u32 v3, v4  }
0x2d3: {  	v4 =	vperm.xlane v3, v0;
	_ =	sdelay $0x1  }
0x2d4: {  	v3 =	vperm.xlane v3, v2;
	v4 =	vadd.s32 v1, v4;
	_ =	sdelay $0x1  }
0x2d5: {  	v3 =	vadd.s32 v1, v3;
	_ =	sdelay $0x1  }
0x2d6: {  	s16 =	simm.s32 $0x1400  }
0x2d7: {  	[tilespmem:s16], [sflag:$0x1] =	stream.indirect_vreg.gather [hbm4b:s4+s3], $0x80, v4, vm0, $0xb8;
	[tilespmem:$0x1C400] =	vst v63  }
0x2d8: {  	s17 =	simm.s32 $0x1C00  }
0x2d9: {  	[tilespmem:s17], [sflag:$0x1] =	stream.indirect_vreg.gather [hbm4b:s4+s3], $0x80, v3, vm0, $0xb8;
	[tilespmem:$0x1C400] =	vst v63  }
0x2da: {  	v3 =	vld [tilespmem:s0+$0x20];
	_ =	sdelay $0x4  }
0x2db: {  	v4 =	vshll.u32 v3, $0x4  }
0x2dc: {  	v3 =	vand.u32 $0x7, v3;
	v4 =	vand.u32 $0xFFFFFF80, v4  }
0x2dd: {  	v3 =	vor.u32 v3, v4  }
0x2de: {  	v4 =	vperm.xlane v3, v0;
	_ =	sdelay $0x1  }
0x2df: {  	v3 =	vperm.xlane v3, v2;
	v4 =	vadd.s32 v1, v4;
	_ =	sdelay $0x1  }
0x2e0: {  	v3 =	vadd.s32 v1, v3;
	_ =	sdelay $0x1  }
0x2e1: {  	s18 =	simm.s32 $0x2400  }
0x2e2: {  	[tilespmem:s18], [sflag:$0x1] =	stream.indirect_vreg.gather [hbm4b:s4+s3], $0x80, v4, vm0, $0xb8;
	[tilespmem:$0x1C400] =	vst v63  }
0x2e3: {  	s16 =	simm.s32 $0x2C00  }
0x2e4: {  	[tilespmem:s16], [sflag:$0x1] =	stream.indirect_vreg.gather [hbm4b:s4+s3], $0x80, v3, vm0, $0xb8;
	[tilespmem:$0x1C400] =	vst v63  }
0x2e5: {  	v3 =	vld [tilespmem:s0+$0x30];
	_ =	sdelay $0x4  }
0x2e6: {  	v4 =	vshll.u32 v3, $0x4  }
0x2e7: {  	v3 =	vand.u32 $0x7, v3;
	v4 =	vand.u32 $0xFFFFFF80, v4  }
0x2e8: {  	v3 =	vor.u32 v3, v4  }
0x2e9: {  	v4 =	vperm.xlane v3, v0;
	_ =	sdelay $0x1  }
0x2ea: {  	v3 =	vperm.xlane v3, v2;
	v4 =	vadd.s32 v1, v4;
	_ =	sdelay $0x1  }
0x2eb: {  	v3 =	vadd.s32 v1, v3;
	_ =	sdelay $0x1  }
0x2ec: {  	s17 =	simm.s32 $0x3400  }
0x2ed: {  	[tilespmem:s17], [sflag:$0x1] =	stream.indirect_vreg.gather [hbm4b:s4+s3], $0x80, v4, vm0, $0xb8;
	[tilespmem:$0x1C400] =	vst v63  }
0x2ee: {  	s18 =	simm.s32 $0x3C00  }
0x2ef: {  	[tilespmem:s18], [sflag:$0x1] =	stream.indirect_vreg.gather [hbm4b:s4+s3], $0x80, v3, vm0, $0xb8;
	[tilespmem:$0x1C400] =	vst v63  }
0x2f0: {  	v3 =	vld [tilespmem:s0+$0x40];
	_ =	sdelay $0x4  }
0x2f1: {  	v4 =	vshll.u32 v3, $0x4  }
0x2f2: {  	v3 =	vand.u32 $0x7, v3;
	v4 =	vand.u32 $0xFFFFFF80, v4  }
0x2f3: {  	v3 =	vor.u32 v3, v4  }
0x2f4: {  	v4 =	vperm.xlane v3, v0;
	_ =	sdelay $0x1  }
0x2f5: {  	v3 =	vperm.xlane v3, v2;
	v4 =	vadd.s32 v1, v4;
	_ =	sdelay $0x1  }
0x2f6: {  	v3 =	vadd.s32 v1, v3;
	_ =	sdelay $0x1  }
0x2f7: {  	s16 =	simm.s32 $0x4400  }
0x2f8: {  	[tilespmem:s16], [sflag:$0x1] =	stream.indirect_vreg.gather [hbm4b:s4+s3], $0x80, v4, vm0, $0xb8;
	[tilespmem:$0x1C400] =	vst v63  }
0x2f9: {  	s17 =	simm.s32 $0x4C00  }
0x2fa: {  	[tilespmem:s17], [sflag:$0x1] =	stream.indirect_vreg.gather [hbm4b:s4+s3], $0x80, v3, vm0, $0xb8;
	[tilespmem:$0x1C400] =	vst v63  }
0x2fb: {  	v3 =	vld [tilespmem:s0+$0x50];
	_ =	sdelay $0x4  }
0x2fc: {  	v4 =	vshll.u32 v3, $0x4  }
0x2fd: {  	v3 =	vand.u32 $0x7, v3;
	v4 =	vand.u32 $0xFFFFFF80, v4  }
0x2fe: {  	v3 =	vor.u32 v3, v4  }
0x2ff: {  	v4 =	vperm.xlane v3, v0;
	_ =	sdelay $0x1  }
0x300: {  	v3 =	vperm.xlane v3, v2;
	v4 =	vadd.s32 v1, v4;
	_ =	sdelay $0x1  }
0x301: {  	v3 =	vadd.s32 v1, v3;
	_ =	sdelay $0x1  }
0x302: {  	s18 =	simm.s32 $0x5400  }
0x303: {  	[tilespmem:s18], [sflag:$0x1] =	stream.indirect_vreg.gather [hbm4b:s4+s3], $0x80, v4, vm0, $0xb8;
	[tilespmem:$0x1C400] =	vst v63  }
0x304: {  	s16 =	simm.s32 $0x5C00  }
0x305: {  	[tilespmem:s16], [sflag:$0x1] =	stream.indirect_vreg.gather [hbm4b:s4+s3], $0x80, v3, vm0, $0xb8;
	[tilespmem:$0x1C400] =	vst v63  }
0x306: {  	v3 =	vld [tilespmem:s0+$0x60];
	_ =	sdelay $0x4  }
0x307: {  	v4 =	vshll.u32 v3, $0x4  }
0x308: {  	v3 =	vand.u32 $0x7, v3;
	v4 =	vand.u32 $0xFFFFFF80, v4  }
0x309: {  	v3 =	vor.u32 v3, v4  }
0x30a: {  	v4 =	vperm.xlane v3, v0;
	_ =	sdelay $0x1  }
0x30b: {  	v3 =	vperm.xlane v3, v2;
	v4 =	vadd.s32 v1, v4;
	_ =	sdelay $0x1  }
0x30c: {  	v3 =	vadd.s32 v1, v3;
	_ =	sdelay $0x1  }
0x30d: {  	s17 =	simm.s32 $0x6400  }
0x30e: {  	[tilespmem:s17], [sflag:$0x1] =	stream.indirect_vreg.gather [hbm4b:s4+s3], $0x80, v4, vm0, $0xb8;
	[tilespmem:$0x1C400] =	vst v63  }
0x30f: {  	s18 =	simm.s32 $0x6C00  }
0x310: {  	[tilespmem:s18], [sflag:$0x1] =	stream.indirect_vreg.gather [hbm4b:s4+s3], $0x80, v3, vm0, $0xb8;
	[tilespmem:$0x1C400] =	vst v63  }
0x311: {  	v3 =	vld [tilespmem:s0+$0x70];
	_ =	sdelay $0x2  }
.Ltmp13:
0x312: {  	_ = 	snop;
	(pc) =	sbr.rel .LBB2_19-.Ltmp13, $4  }
0x313: {  	_ = 	snop  }
0x314: {  	v4 =	vshll.u32 v3, $0x4  }
0x315: {  	v3 =	vand.u32 $0x7, v3;
	v4 =	vand.u32 $0xFFFFFF80, v4  }
0x316: {  	v3 =	vor.u32 v3, v4  }
.LBB2_21:
0x317: {  	_ =	sfence.sel $0x180000  }
0x318: {  	[bflag:$0x0] =	sbarrier.arrive $0xFFFF  }
0x319: {  	_ =	strace $0x90000047  }
0x31a: {  	s0 =	stileid.u32;
	[bflag:$0x2] =	sbarrier.arrive $0xFFFF  }
0x31b: {  	p0 =	sne.s32 s0, $0x0;
	s0 =	rddreg [dreg:$0x5]  }
0x31c: {  	s0 =	sadd.s32 @!p0 $0x100000, s0  }
0x31d: {  	[sflag:s0] =	ssyncadd.tile.s32 @!p0 $0x1;
	_ =	shalt  }
.Lfunc_end2:
_tile_overlayer_lowered:
.L_overlay_start_2:
0x31e: {  	(tag) =	ssettag $0x2  }
0x31f: {  	s0 =	rddreg [dreg:$0x0];
	s2 =	stileid.u32  }
0x320: {  	s1 =	rddreg [dreg:$0x1];
	p0 =	sne.s32 s2, $0x0  }
0x321: {  	s3 =	rddreg [dreg:$0x2];
	[bflag:$0x3] =	sbarrier.arrive $0xFFFF;
	s2 =	simm.s32 @!p0 $0x1C09  }
0x322: {  	[timem:s3], [sflag:s2] =	dma.local @!p0 [hbm:s0], s1  }
0x323: {  	s0 =	simm.s32 @!p0 $0x9  }
0x324: {  	_ =	swait.ge @!p0 [sflag:s0], s1  }
0x325: {  	s1 =	ssub.s32 @!p0 $0x0, s1;
	[sflag:s0] =	ssyncset.done @!p0 $0x0  }
0x326: {  	[sflag:s0] =	ssyncadd.s32 @!p0 s1  }
0x327: {  	[bflag:$0x3] =	sbarrier.arrive $0xFFFF  }
0x328: {  	_ =	shalt  }

</sc_bundles>
